<compile_context>
chip_gen: v7x
topology: tpu7x:2x2x1
jax: 0.10.2.dev20260603
libtpu: 0.0.44.dev20260713+nightly
codegen_flags: <defaults>
</compile_context>

<pallas_src>
import jax
import jax.numpy as jnp
from jax import lax
from jax.experimental import pallas as pl
from jax.experimental.pallas import tpu as pltpu
from jax.experimental.pallas import tpu_sc as plsc

B = 4
T = 8192
D = 1024
NC = 2
NS = 16
NW = NC * NS
TPW = T // NW
CH = 8
DC = 512
ND = D // DC
NT = TPW // CH
NCH = NT * ND
NBUF = 6
OUT_SLACK = 2
IN_AHEAD = NBUF - OUT_SLACK
UNROLL = 4
_LOG_ND = ND.bit_length() - 1
_LOG_DC = DC.bit_length() - 1


def _sc_body(x_hbm, p_hbm, out_hbm, *scratch):
    xbufs = scratch[0:NBUF]
    pbufs = scratch[NBUF:2 * NBUF]
    sxs = scratch[2 * NBUF:3 * NBUF]
    sps = scratch[3 * NBUF:4 * NBUF]
    sos = scratch[4 * NBUF:5 * NBUF]

    wid = lax.axis_index("s") * NC + lax.axis_index("c")
    tok0 = wid * TPW

    def offs(j):
        t0 = pl.multiple_of(tok0 + (j >> _LOG_ND) * CH, CH)
        d0 = (j & (ND - 1)) << _LOG_DC
        if not isinstance(d0, int):
            d0 = pl.multiple_of(d0, DC)
        return t0, d0

    def start_in(j, r):
        t0, d0 = offs(j)
        pltpu.async_copy(p_hbm.at[pl.ds(t0, CH), pl.ds(d0, DC)], pbufs[r], sps[r])
        pltpu.async_copy(x_hbm.at[:, pl.ds(t0, CH), pl.ds(d0, DC)], xbufs[r], sxs[r])

    def wait_in(r):
        pltpu.make_async_copy(
            p_hbm.at[pl.ds(0, CH), pl.ds(0, DC)], pbufs[r], sps[r]).wait()
        pltpu.make_async_copy(
            x_hbm.at[:, pl.ds(0, CH), pl.ds(0, DC)], xbufs[r], sxs[r]).wait()

    def start_out(j, r):
        t0, d0 = offs(j)
        pltpu.async_copy(xbufs[r], out_hbm.at[:, pl.ds(t0, CH), pl.ds(d0, DC)], sos[r])

    def wait_out(r):
        pltpu.make_async_copy(
            xbufs[r], out_hbm.at[:, pl.ds(0, CH), pl.ds(0, DC)], sos[r]).wait()

    def compute(r):
        xb, pb = xbufs[r], pbufs[r]

        @plsc.parallel_loop(0, CH * DC, 16, unroll=UNROLL)
        def _(o):
            c = o >> _LOG_DC
            dd = pl.multiple_of(o & (DC - 1), 16)
            pv = pb[c, pl.ds(dd, 16)]
            for b in range(B):
                plsc.addupdate(xb.at[b, c, pl.ds(dd, 16)], pv)

    for j in range(IN_AHEAD):
        start_in(j, j)

    def position(j, k):
        wait_in(k)
        compute(k)
        start_out(j, k)
        rn = (k + NBUF - OUT_SLACK) % NBUF

        @pl.when(j >= OUT_SLACK)
        def _():
            wait_out(rn)

        @pl.when(j + IN_AHEAD < NCH)
        def _():
            start_in(j + IN_AHEAD, rn)

    def group(g, carry):
        for k in range(NBUF):
            position(g * NBUF + k, k)
        return carry

    lax.fori_loop(0, NCH // NBUF, group, 0)

    for j in range((NCH // NBUF) * NBUF, NCH):
        position(j, j % NBUF)

    for j in range(max(NCH - OUT_SLACK, 0), NCH):
        wait_out(j % NBUF)


def _sc_add(x, p):
    mesh = plsc.VectorSubcoreMesh(core_axis_name="c", subcore_axis_name="s")
    k = pl.kernel(
        _sc_body,
        out_type=jax.ShapeDtypeStruct((B, T, D), jnp.float32),
        mesh=mesh,
        compiler_params=pltpu.CompilerParams(use_tc_tiling_on_sc=True),
        scratch_types=(
            [pltpu.VMEM((B, CH, DC), jnp.float32) for _ in range(NBUF)]
            + [pltpu.VMEM((CH, DC), jnp.float32) for _ in range(NBUF)]
            + [pltpu.SemaphoreType.DMA for _ in range(3 * NBUF)]
        ),
    )
    return k(x, p)


def kernel(encoded_tokens, pos_table):
    return _sc_add(encoded_tokens, pos_table)

# --- scband reference (transcript-rebuilt; emitter-appended) ---
"""Pipeline reference for scband-positional-encoder-86036784874140 (READ-ONLY COPY).

The authoritative reference and input builder live on the scoring server;
editing this copy changes nothing except your own understanding.
"""

import jax, jax.numpy as jnp
import numpy as np

B = 4
NUM_TOKENS = 8192
EMBED_DIM = 1024

def setup_inputs(seed: int = 0) -> dict:
    key = jax.random.key(seed)
    k1, k2 = jax.random.split(key)
    encoded_tokens = jax.random.normal(k1, (B, NUM_TOKENS, EMBED_DIM), dtype=jnp.float32)
    # Learned positional embedding table, sized [num_tokens, embed_dim]
    pos_table = jax.random.normal(k2, (NUM_TOKENS, EMBED_DIM), dtype=jnp.float32) * 0.02
    return {"encoded_tokens": encoded_tokens, "pos_table": pos_table}

def reference(encoded_tokens, pos_table):
    # positions = range(num_tokens); embedding lookup (gather) then broadcast-add
    positions = jnp.arange(NUM_TOKENS, dtype=jnp.int32)
    encoded_positions = jnp.take(pos_table, positions, axis=0)  # [num_tokens, embed_dim]
    return encoded_tokens + encoded_positions[None, :, :]

if __name__ == "__main__":
    import jax
    _d = setup_inputs()
    print(jax.jit(kernel)(*tuple(_d.values())))

</pallas_src>

<mosaic_0001>
#map = affine_map<(d0, d1) -> (0, 0, 0)>
#map1 = affine_map<(d0, d1) -> (0, 0)>
module attributes {stable_mosaic.version = 14 : i64} {
  func.func @_sc_body(%arg0: i32, %arg1: i32, %arg2: memref<4x8192x1024xf32, #tpu.memory_space<hbm>>, %arg3: memref<8192x1024xf32, #tpu.memory_space<hbm>>, %arg4: memref<4x8192x1024xf32, #tpu.memory_space<hbm>>, %arg5: memref<4x8x512xf32, #tpu.memory_space<vmem>>, %arg6: memref<4x8x512xf32, #tpu.memory_space<vmem>>, %arg7: memref<4x8x512xf32, #tpu.memory_space<vmem>>, %arg8: memref<4x8x512xf32, #tpu.memory_space<vmem>>, %arg9: memref<4x8x512xf32, #tpu.memory_space<vmem>>, %arg10: memref<4x8x512xf32, #tpu.memory_space<vmem>>, %arg11: memref<8x512xf32, #tpu.memory_space<vmem>>, %arg12: memref<8x512xf32, #tpu.memory_space<vmem>>, %arg13: memref<8x512xf32, #tpu.memory_space<vmem>>, %arg14: memref<8x512xf32, #tpu.memory_space<vmem>>, %arg15: memref<8x512xf32, #tpu.memory_space<vmem>>, %arg16: memref<8x512xf32, #tpu.memory_space<vmem>>, %arg17: memref<!tpu.dma_semaphore, #tpu.memory_space<semaphore_mem>>, %arg18: memref<!tpu.dma_semaphore, #tpu.memory_space<semaphore_mem>>, %arg19: memref<!tpu.dma_semaphore, #tpu.memory_space<semaphore_mem>>, %arg20: memref<!tpu.dma_semaphore, #tpu.memory_space<semaphore_mem>>, %arg21: memref<!tpu.dma_semaphore, #tpu.memory_space<semaphore_mem>>, %arg22: memref<!tpu.dma_semaphore, #tpu.memory_space<semaphore_mem>>, %arg23: memref<!tpu.dma_semaphore, #tpu.memory_space<semaphore_mem>>, %arg24: memref<!tpu.dma_semaphore, #tpu.memory_space<semaphore_mem>>, %arg25: memref<!tpu.dma_semaphore, #tpu.memory_space<semaphore_mem>>, %arg26: memref<!tpu.dma_semaphore, #tpu.memory_space<semaphore_mem>>, %arg27: memref<!tpu.dma_semaphore, #tpu.memory_space<semaphore_mem>>, %arg28: memref<!tpu.dma_semaphore, #tpu.memory_space<semaphore_mem>>, %arg29: memref<!tpu.dma_semaphore, #tpu.memory_space<semaphore_mem>>, %arg30: memref<!tpu.dma_semaphore, #tpu.memory_space<semaphore_mem>>, %arg31: memref<!tpu.dma_semaphore, #tpu.memory_space<semaphore_mem>>, %arg32: memref<!tpu.dma_semaphore, #tpu.memory_space<semaphore_mem>>, %arg33: memref<!tpu.dma_semaphore, #tpu.memory_space<semaphore_mem>>, %arg34: memref<!tpu.dma_semaphore, #tpu.memory_space<semaphore_mem>>) attributes {dimension_semantics = [#tpu.dimension_semantics<core_parallel>, #tpu.dimension_semantics<subcore_parallel>], iteration_bounds = array<i64: 2, 16>, scalar_prefetch = 0 : i64, scratch_operands = 30 : i64, tpu.core_type = #tpu.core_type<sc_vector_subcore>, window_params = [{transform_indices = #map}, {transform_indices = #map1}, {transform_indices = #map}]} {
    %mul3A = arith.constant 2 : i32
    %mul3A_0 = arith.muli %arg1, %mul3A : i32
    %add3A = arith.addi %mul3A_0, %arg0 : i32
    %mul3A_1 = arith.constant 256 : i32
    %mul3A_2 = arith.muli %add3A, %mul3A_1 : i32
    %add3A_3 = arith.constant 0 : i32
    %add3A_4 = arith.addi %mul3A_2, %add3A_3 : i32
    %multiple_of3A = tpu.assume_multiple %add3A_4, 8 : i32
    %dma_start3A = arith.constant 0 : i32
    %dma_start3A_5 = tpu.memref_slice %arg3[%multiple_of3A, %dma_start3A] : memref<8192x1024xf32, #tpu.memory_space<hbm>> -> memref<8x512xf32, #tpu.memory_space<hbm>>
    %dma_start3A_6 = arith.constant 0 : i32
    %dma_start3A_7 = tpu.memref_slice %arg3[%multiple_of3A, %dma_start3A_6] : memref<8192x1024xf32, #tpu.memory_space<hbm>> -> memref<8x512xf32, #tpu.memory_space<hbm>>
    tpu.enqueue_dma source(%dma_start3A_7 : memref<8x512xf32, #tpu.memory_space<hbm>>) target(%arg11 : memref<8x512xf32, #tpu.memory_space<vmem>>) target_semaphore(%arg23 : memref<!tpu.dma_semaphore, #tpu.memory_space<semaphore_mem>>)
    %dma_start3A_8 = arith.constant 0 : i32
    %dma_start3A_9 = arith.constant 0 : i32
    %dma_start3A_10 = tpu.memref_slice %arg2[%dma_start3A_8, %multiple_of3A, %dma_start3A_9] : memref<4x8192x1024xf32, #tpu.memory_space<hbm>> -> memref<4x8x512xf32, #tpu.memory_space<hbm>>
    %dma_start3A_11 = arith.constant 0 : i32
    %dma_start3A_12 = arith.constant 0 : i32
    %dma_start3A_13 = tpu.memref_slice %arg2[%dma_start3A_11, %multiple_of3A, %dma_start3A_12] : memref<4x8192x1024xf32, #tpu.memory_space<hbm>> -> memref<4x8x512xf32, #tpu.memory_space<hbm>>
    tpu.enqueue_dma source(%dma_start3A_13 : memref<4x8x512xf32, #tpu.memory_space<hbm>>) target(%arg5 : memref<4x8x512xf32, #tpu.memory_space<vmem>>) target_semaphore(%arg17 : memref<!tpu.dma_semaphore, #tpu.memory_space<semaphore_mem>>)
    %add3A_14 = arith.constant 0 : i32
    %add3A_15 = arith.addi %mul3A_2, %add3A_14 : i32
    %multiple_of3A_16 = tpu.assume_multiple %add3A_15, 8 : i32
    %dma_start3A_17 = arith.constant 512 : i32
    %dma_start3A_18 = tpu.memref_slice %arg3[%multiple_of3A_16, %dma_start3A_17] : memref<8192x1024xf32, #tpu.memory_space<hbm>> -> memref<8x512xf32, #tpu.memory_space<hbm>>
    %dma_start3A_19 = arith.constant 512 : i32
    %dma_start3A_20 = tpu.memref_slice %arg3[%multiple_of3A_16, %dma_start3A_19] : memref<8192x1024xf32, #tpu.memory_space<hbm>> -> memref<8x512xf32, #tpu.memory_space<hbm>>
    tpu.enqueue_dma source(%dma_start3A_20 : memref<8x512xf32, #tpu.memory_space<hbm>>) target(%arg12 : memref<8x512xf32, #tpu.memory_space<vmem>>) target_semaphore(%arg24 : memref<!tpu.dma_semaphore, #tpu.memory_space<semaphore_mem>>)
    %dma_start3A_21 = arith.constant 0 : i32
    %dma_start3A_22 = arith.constant 512 : i32
    %dma_start3A_23 = tpu.memref_slice %arg2[%dma_start3A_21, %multiple_of3A_16, %dma_start3A_22] : memref<4x8192x1024xf32, #tpu.memory_space<hbm>> -> memref<4x8x512xf32, #tpu.memory_space<hbm>>
    %dma_start3A_24 = arith.constant 0 : i32
    %dma_start3A_25 = arith.constant 512 : i32
    %dma_start3A_26 = tpu.memref_slice %arg2[%dma_start3A_24, %multiple_of3A_16, %dma_start3A_25] : memref<4x8192x1024xf32, #tpu.memory_space<hbm>> -> memref<4x8x512xf32, #tpu.memory_space<hbm>>
    tpu.enqueue_dma source(%dma_start3A_26 : memref<4x8x512xf32, #tpu.memory_space<hbm>>) target(%arg6 : memref<4x8x512xf32, #tpu.memory_space<vmem>>) target_semaphore(%arg18 : memref<!tpu.dma_semaphore, #tpu.memory_space<semaphore_mem>>)
    %add3A_27 = arith.constant 8 : i32
    %add3A_28 = arith.addi %mul3A_2, %add3A_27 : i32
    %multiple_of3A_29 = tpu.assume_multiple %add3A_28, 8 : i32
    %dma_start3A_30 = arith.constant 0 : i32
    %dma_start3A_31 = tpu.memref_slice %arg3[%multiple_of3A_29, %dma_start3A_30] : memref<8192x1024xf32, #tpu.memory_space<hbm>> -> memref<8x512xf32, #tpu.memory_space<hbm>>
    %dma_start3A_32 = arith.constant 0 : i32
    %dma_start3A_33 = tpu.memref_slice %arg3[%multiple_of3A_29, %dma_start3A_32] : memref<8192x1024xf32, #tpu.memory_space<hbm>> -> memref<8x512xf32, #tpu.memory_space<hbm>>
    tpu.enqueue_dma source(%dma_start3A_33 : memref<8x512xf32, #tpu.memory_space<hbm>>) target(%arg13 : memref<8x512xf32, #tpu.memory_space<vmem>>) target_semaphore(%arg25 : memref<!tpu.dma_semaphore, #tpu.memory_space<semaphore_mem>>)
    %dma_start3A_34 = arith.constant 0 : i32
    %dma_start3A_35 = arith.constant 0 : i32
    %dma_start3A_36 = tpu.memref_slice %arg2[%dma_start3A_34, %multiple_of3A_29, %dma_start3A_35] : memref<4x8192x1024xf32, #tpu.memory_space<hbm>> -> memref<4x8x512xf32, #tpu.memory_space<hbm>>
    %dma_start3A_37 = arith.constant 0 : i32
    %dma_start3A_38 = arith.constant 0 : i32
    %dma_start3A_39 = tpu.memref_slice %arg2[%dma_start3A_37, %multiple_of3A_29, %dma_start3A_38] : memref<4x8192x1024xf32, #tpu.memory_space<hbm>> -> memref<4x8x512xf32, #tpu.memory_space<hbm>>
    tpu.enqueue_dma source(%dma_start3A_39 : memref<4x8x512xf32, #tpu.memory_space<hbm>>) target(%arg7 : memref<4x8x512xf32, #tpu.memory_space<vmem>>) target_semaphore(%arg19 : memref<!tpu.dma_semaphore, #tpu.memory_space<semaphore_mem>>)
    %add3A_40 = arith.constant 8 : i32
    %add3A_41 = arith.addi %mul3A_2, %add3A_40 : i32
    %multiple_of3A_42 = tpu.assume_multiple %add3A_41, 8 : i32
    %dma_start3A_43 = arith.constant 512 : i32
    %dma_start3A_44 = tpu.memref_slice %arg3[%multiple_of3A_42, %dma_start3A_43] : memref<8192x1024xf32, #tpu.memory_space<hbm>> -> memref<8x512xf32, #tpu.memory_space<hbm>>
    %dma_start3A_45 = arith.constant 512 : i32
    %dma_start3A_46 = tpu.memref_slice %arg3[%multiple_of3A_42, %dma_start3A_45] : memref<8192x1024xf32, #tpu.memory_space<hbm>> -> memref<8x512xf32, #tpu.memory_space<hbm>>
    tpu.enqueue_dma source(%dma_start3A_46 : memref<8x512xf32, #tpu.memory_space<hbm>>) target(%arg14 : memref<8x512xf32, #tpu.memory_space<vmem>>) target_semaphore(%arg26 : memref<!tpu.dma_semaphore, #tpu.memory_space<semaphore_mem>>)
    %dma_start3A_47 = arith.constant 0 : i32
    %dma_start3A_48 = arith.constant 512 : i32
    %dma_start3A_49 = tpu.memref_slice %arg2[%dma_start3A_47, %multiple_of3A_42, %dma_start3A_48] : memref<4x8192x1024xf32, #tpu.memory_space<hbm>> -> memref<4x8x512xf32, #tpu.memory_space<hbm>>
    %dma_start3A_50 = arith.constant 0 : i32
    %dma_start3A_51 = arith.constant 512 : i32
    %dma_start3A_52 = tpu.memref_slice %arg2[%dma_start3A_50, %multiple_of3A_42, %dma_start3A_51] : memref<4x8192x1024xf32, #tpu.memory_space<hbm>> -> memref<4x8x512xf32, #tpu.memory_space<hbm>>
    tpu.enqueue_dma source(%dma_start3A_52 : memref<4x8x512xf32, #tpu.memory_space<hbm>>) target(%arg8 : memref<4x8x512xf32, #tpu.memory_space<vmem>>) target_semaphore(%arg20 : memref<!tpu.dma_semaphore, #tpu.memory_space<semaphore_mem>>)
    %scan3A = arith.constant 0 : i32
    %scan3A_53 = arith.constant 0 : i32
    %scan3A_54 = arith.constant 10 : i32
    %scan3A_55 = arith.addi %scan3A_53, %scan3A_54 : i32
    %scan3A_56 = arith.constant 1 : i32
    scf.for %scan3A_208 = %scan3A_53 to %scan3A_55 step %scan3A_56  : i32 {
      %mul3A_209 = arith.constant 6 : i32
      %mul3A_210 = arith.muli %scan3A_208, %mul3A_209 : i32
      %add3A_211 = arith.constant 0 : i32
      %add3A_212 = arith.addi %mul3A_210, %add3A_211 : i32
      %dma_wait3A_213 = arith.constant 0 : i32
      %dma_wait3A_214 = arith.constant 0 : i32
      %dma_wait3A_215 = tpu.memref_slice %arg3[%dma_wait3A_213, %dma_wait3A_214] : memref<8192x1024xf32, #tpu.memory_space<hbm>> -> memref<8x512xf32, #tpu.memory_space<hbm>>
      %dma_wait3A_216 = arith.constant 0 : i32
      %dma_wait3A_217 = arith.constant 0 : i32
      %dma_wait3A_218 = tpu.memref_slice %arg3[%dma_wait3A_216, %dma_wait3A_217] : memref<8192x1024xf32, #tpu.memory_space<hbm>> -> memref<8x512xf32, #tpu.memory_space<hbm>>
      tpu.wait_dma2 semaphore(%arg23 : memref<!tpu.dma_semaphore, #tpu.memory_space<semaphore_mem>>) src(%dma_wait3A_218 : memref<8x512xf32, #tpu.memory_space<hbm>>) dst(%arg11 : memref<8x512xf32, #tpu.memory_space<vmem>>)
      %dma_wait3A_219 = arith.constant 0 : i32
      %dma_wait3A_220 = arith.constant 0 : i32
      %dma_wait3A_221 = arith.constant 0 : i32
      %dma_wait3A_222 = tpu.memref_slice %arg2[%dma_wait3A_219, %dma_wait3A_220, %dma_wait3A_221] : memref<4x8192x1024xf32, #tpu.memory_space<hbm>> -> memref<4x8x512xf32, #tpu.memory_space<hbm>>
      %dma_wait3A_223 = arith.constant 0 : i32
      %dma_wait3A_224 = arith.constant 0 : i32
      %dma_wait3A_225 = arith.constant 0 : i32
      %dma_wait3A_226 = tpu.memref_slice %arg2[%dma_wait3A_223, %dma_wait3A_224, %dma_wait3A_225] : memref<4x8192x1024xf32, #tpu.memory_space<hbm>> -> memref<4x8x512xf32, #tpu.memory_space<hbm>>
      tpu.wait_dma2 semaphore(%arg17 : memref<!tpu.dma_semaphore, #tpu.memory_space<semaphore_mem>>) src(%dma_wait3A_226 : memref<4x8x512xf32, #tpu.memory_space<hbm>>) dst(%arg5 : memref<4x8x512xf32, #tpu.memory_space<vmem>>)
      %parallel_loop3A_227 = arith.constant 0 : i32
      %parallel_loop3A_228 = arith.constant 4096 : i32
      %parallel_loop3A_229 = arith.constant 16 : i32
      scf.for %parallel_loop3A_490 = %parallel_loop3A_227 to %parallel_loop3A_228 step %parallel_loop3A_229  : i32 {
        %parallel_loop3A_491 = arith.constant 9 : i32
        %parallel_loop3A_492 = arith.shrsi %parallel_loop3A_490, %parallel_loop3A_491 : i32
        %parallel_loop3A_493 = arith.constant 511 : i32
        %parallel_loop3A_494 = arith.andi %parallel_loop3A_490, %parallel_loop3A_493 : i32
        %parallel_loop3A_495 = tpu.assume_multiple %parallel_loop3A_494, 16 : i32
        %parallel_loop3A_496 = arith.index_cast %parallel_loop3A_492 : i32 to index
        %parallel_loop3A_497 = arith.index_cast %parallel_loop3A_495 : i32 to index
        %parallel_loop3A_498 = tpu.vector_load %arg11[%parallel_loop3A_496, %parallel_loop3A_497] {strides = array<i32>} : memref<8x512xf32, #tpu.memory_space<vmem>>, vector<1x16xf32>,
        %parallel_loop3A_499 = vector.shape_cast %parallel_loop3A_498 : vector<1x16xf32> to vector<16xf32>
        %parallel_loop3A_500 = arith.constant 0 : i32
        %parallel_loop3A_501 = arith.index_cast %parallel_loop3A_500 : i32 to index
        %parallel_loop3A_502 = arith.index_cast %parallel_loop3A_492 : i32 to index
        %parallel_loop3A_503 = arith.index_cast %parallel_loop3A_495 : i32 to index
        %parallel_loop3A_504 = tpu.vector_load %arg5[%parallel_loop3A_501, %parallel_loop3A_502, %parallel_loop3A_503] {strides = array<i32>} : memref<4x8x512xf32, #tpu.memory_space<vmem>>, vector<1x1x16xf32>,
        %parallel_loop3A_505 = vector.shape_cast %parallel_loop3A_504 : vector<1x1x16xf32> to vector<16xf32>
        %parallel_loop3A_506 = vector.shape_cast %parallel_loop3A_499 : vector<16xf32> to vector<1x1x16xf32>
        tpu.vector_store %arg5[%parallel_loop3A_501, %parallel_loop3A_502, %parallel_loop3A_503], %parallel_loop3A_506 {add = true, strides = array<i32>} : memref<4x8x512xf32, #tpu.memory_space<vmem>>, vector<1x1x16xf32>,
        %parallel_loop3A_507 = arith.constant 1 : i32
        %parallel_loop3A_508 = arith.index_cast %parallel_loop3A_507 : i32 to index
        %parallel_loop3A_509 = arith.index_cast %parallel_loop3A_492 : i32 to index
        %parallel_loop3A_510 = arith.index_cast %parallel_loop3A_495 : i32 to index
        %parallel_loop3A_511 = tpu.vector_load %arg5[%parallel_loop3A_508, %parallel_loop3A_509, %parallel_loop3A_510] {strides = array<i32>} : memref<4x8x512xf32, #tpu.memory_space<vmem>>, vector<1x1x16xf32>,
        %parallel_loop3A_512 = vector.shape_cast %parallel_loop3A_511 : vector<1x1x16xf32> to vector<16xf32>
        %parallel_loop3A_513 = vector.shape_cast %parallel_loop3A_499 : vector<16xf32> to vector<1x1x16xf32>
        tpu.vector_store %arg5[%parallel_loop3A_508, %parallel_loop3A_509, %parallel_loop3A_510], %parallel_loop3A_513 {add = true, strides = array<i32>} : memref<4x8x512xf32, #tpu.memory_space<vmem>>, vector<1x1x16xf32>,
        %parallel_loop3A_514 = arith.constant 2 : i32
        %parallel_loop3A_515 = arith.index_cast %parallel_loop3A_514 : i32 to index
        %parallel_loop3A_516 = arith.index_cast %parallel_loop3A_492 : i32 to index
        %parallel_loop3A_517 = arith.index_cast %parallel_loop3A_495 : i32 to index
        %parallel_loop3A_518 = tpu.vector_load %arg5[%parallel_loop3A_515, %parallel_loop3A_516, %parallel_loop3A_517] {strides = array<i32>} : memref<4x8x512xf32, #tpu.memory_space<vmem>>, vector<1x1x16xf32>,
        %parallel_loop3A_519 = vector.shape_cast %parallel_loop3A_518 : vector<1x1x16xf32> to vector<16xf32>
        %parallel_loop3A_520 = vector.shape_cast %parallel_loop3A_499 : vector<16xf32> to vector<1x1x16xf32>
        tpu.vector_store %arg5[%parallel_loop3A_515, %parallel_loop3A_516, %parallel_loop3A_517], %parallel_loop3A_520 {add = true, strides = array<i32>} : memref<4x8x512xf32, #tpu.memory_space<vmem>>, vector<1x1x16xf32>,
        %parallel_loop3A_521 = arith.constant 3 : i32
        %parallel_loop3A_522 = arith.index_cast %parallel_loop3A_521 : i32 to index
        %parallel_loop3A_523 = arith.index_cast %parallel_loop3A_492 : i32 to index
        %parallel_loop3A_524 = arith.index_cast %parallel_loop3A_495 : i32 to index
        %parallel_loop3A_525 = tpu.vector_load %arg5[%parallel_loop3A_522, %parallel_loop3A_523, %parallel_loop3A_524] {strides = array<i32>} : memref<4x8x512xf32, #tpu.memory_space<vmem>>, vector<1x1x16xf32>,
        %parallel_loop3A_526 = vector.shape_cast %parallel_loop3A_525 : vector<1x1x16xf32> to vector<16xf32>
        %parallel_loop3A_527 = vector.shape_cast %parallel_loop3A_499 : vector<16xf32> to vector<1x1x16xf32>
        tpu.vector_store %arg5[%parallel_loop3A_522, %parallel_loop3A_523, %parallel_loop3A_524], %parallel_loop3A_527 {add = true, strides = array<i32>} : memref<4x8x512xf32, #tpu.memory_space<vmem>>, vector<1x1x16xf32>,
      } {sc.loop_unroll_factor = 4 : i64, sc.parallel_access}
      %shift_right_arithmetic3A = arith.constant 1 : i32
      %shift_right_arithmetic3A_230 = arith.shrsi %add3A_212, %shift_right_arithmetic3A : i32
      %mul3A_231 = arith.constant 8 : i32
      %mul3A_232 = arith.muli %shift_right_arithmetic3A_230, %mul3A_231 : i32
      %add3A_233 = arith.addi %mul3A_2, %mul3A_232 : i32
      %multiple_of3A_234 = tpu.assume_multiple %add3A_233, 8 : i32
      %and3A = arith.constant 1 : i32
      %and3A_235 = arith.andi %add3A_212, %and3A : i32
      %shift_left3A = arith.constant 9 : i32
      %shift_left3A_236 = arith.shli %and3A_235, %shift_left3A : i32
      %multiple_of3A_237 = tpu.assume_multiple %shift_left3A_236, 512 : i32
      %dma_start3A_238 = arith.constant 0 : i32
      %dma_start3A_239 = tpu.memref_slice %arg4[%dma_start3A_238, %multiple_of3A_234, %multiple_of3A_237] : memref<4x8192x1024xf32, #tpu.memory_space<hbm>> -> memref<4x8x512xf32, #tpu.memory_space<hbm>>
      %dma_start3A_240 = arith.constant 0 : i32
      %dma_start3A_241 = tpu.memref_slice %arg4[%dma_start3A_240, %multiple_of3A_234, %multiple_of3A_237] : memref<4x8192x1024xf32, #tpu.memory_space<hbm>> -> memref<4x8x512xf32, #tpu.memory_space<hbm>>
      tpu.enqueue_dma source(%arg5 : memref<4x8x512xf32, #tpu.memory_space<vmem>>) target(%dma_start3A_241 : memref<4x8x512xf32, #tpu.memory_space<hbm>>) target_semaphore(%arg29 : memref<!tpu.dma_semaphore, #tpu.memory_space<semaphore_mem>>)
      %ge3A = arith.constant 2 : i32
      %ge3A_242 = arith.cmpi sge, %add3A_212, %ge3A : i32
      %convert_element_type3A = arith.extui %ge3A_242 : i1 to i32
      %cond3A = arith.constant 0 : i32
      %cond3A_243 = arith.cmpi ne, %convert_element_type3A, %cond3A : i32
      scf.if %cond3A_243 {
        %dma_wait3A_490 = arith.constant 0 : i32
        %dma_wait3A_491 = arith.constant 0 : i32
        %dma_wait3A_492 = arith.constant 0 : i32
        %dma_wait3A_493 = tpu.memref_slice %arg4[%dma_wait3A_490, %dma_wait3A_491, %dma_wait3A_492] : memref<4x8192x1024xf32, #tpu.memory_space<hbm>> -> memref<4x8x512xf32, #tpu.memory_space<hbm>>
        %dma_wait3A_494 = arith.constant 0 : i32
        %dma_wait3A_495 = arith.constant 0 : i32
        %dma_wait3A_496 = arith.constant 0 : i32
        %dma_wait3A_497 = tpu.memref_slice %arg4[%dma_wait3A_494, %dma_wait3A_495, %dma_wait3A_496] : memref<4x8192x1024xf32, #tpu.memory_space<hbm>> -> memref<4x8x512xf32, #tpu.memory_space<hbm>>
        tpu.wait_dma2 semaphore(%arg33 : memref<!tpu.dma_semaphore, #tpu.memory_space<semaphore_mem>>) src(%arg9 : memref<4x8x512xf32, #tpu.memory_space<vmem>>) dst(%dma_wait3A_497 : memref<4x8x512xf32, #tpu.memory_space<hbm>>)
      } else {
      }
      %add3A_244 = arith.constant 4 : i32
      %add3A_245 = arith.addi %add3A_212, %add3A_244 : i32
      %lt3A = arith.constant 64 : i32
      %lt3A_246 = arith.cmpi slt, %add3A_245, %lt3A : i32
      %convert_element_type3A_247 = arith.extui %lt3A_246 : i1 to i32
      %cond3A_248 = arith.constant 0 : i32
      %cond3A_249 = arith.cmpi ne, %convert_element_type3A_247, %cond3A_248 : i32
      scf.if %cond3A_249 {
        %add3A_490 = arith.constant 4 : i32
        %add3A_491 = arith.addi %add3A_212, %add3A_490 : i32
        %shift_right_arithmetic3A_492 = arith.constant 1 : i32
        %shift_right_arithmetic3A_493 = arith.shrsi %add3A_491, %shift_right_arithmetic3A_492 : i32
        %mul3A_494 = arith.constant 8 : i32
        %mul3A_495 = arith.muli %shift_right_arithmetic3A_493, %mul3A_494 : i32
        %add3A_496 = arith.addi %mul3A_2, %mul3A_495 : i32
        %multiple_of3A_497 = tpu.assume_multiple %add3A_496, 8 : i32
        %and3A_498 = arith.constant 1 : i32
        %and3A_499 = arith.andi %add3A_491, %and3A_498 : i32
        %shift_left3A_500 = arith.constant 9 : i32
        %shift_left3A_501 = arith.shli %and3A_499, %shift_left3A_500 : i32
        %multiple_of3A_502 = tpu.assume_multiple %shift_left3A_501, 512 : i32
        %dma_start3A_503 = tpu.memref_slice %arg3[%multiple_of3A_497, %multiple_of3A_502] : memref<8192x1024xf32, #tpu.memory_space<hbm>> -> memref<8x512xf32, #tpu.memory_space<hbm>>
        %dma_start3A_504 = tpu.memref_slice %arg3[%multiple_of3A_497, %multiple_of3A_502] : memref<8192x1024xf32, #tpu.memory_space<hbm>> -> memref<8x512xf32, #tpu.memory_space<hbm>>
        tpu.enqueue_dma source(%dma_start3A_504 : memref<8x512xf32, #tpu.memory_space<hbm>>) target(%arg15 : memref<8x512xf32, #tpu.memory_space<vmem>>) target_semaphore(%arg27 : memref<!tpu.dma_semaphore, #tpu.memory_space<semaphore_mem>>)
        %dma_start3A_505 = arith.constant 0 : i32
        %dma_start3A_506 = tpu.memref_slice %arg2[%dma_start3A_505, %multiple_of3A_497, %multiple_of3A_502] : memref<4x8192x1024xf32, #tpu.memory_space<hbm>> -> memref<4x8x512xf32, #tpu.memory_space<hbm>>
        %dma_start3A_507 = arith.constant 0 : i32
        %dma_start3A_508 = tpu.memref_slice %arg2[%dma_start3A_507, %multiple_of3A_497, %multiple_of3A_502] : memref<4x8192x1024xf32, #tpu.memory_space<hbm>> -> memref<4x8x512xf32, #tpu.memory_space<hbm>>
        tpu.enqueue_dma source(%dma_start3A_508 : memref<4x8x512xf32, #tpu.memory_space<hbm>>) target(%arg9 : memref<4x8x512xf32, #tpu.memory_space<vmem>>) target_semaphore(%arg21 : memref<!tpu.dma_semaphore, #tpu.memory_space<semaphore_mem>>)
      } else {
      }
      %mul3A_250 = arith.constant 6 : i32
      %mul3A_251 = arith.muli %scan3A_208, %mul3A_250 : i32
      %add3A_252 = arith.constant 1 : i32
      %add3A_253 = arith.addi %mul3A_251, %add3A_252 : i32
      %dma_wait3A_254 = arith.constant 0 : i32
      %dma_wait3A_255 = arith.constant 0 : i32
      %dma_wait3A_256 = tpu.memref_slice %arg3[%dma_wait3A_254, %dma_wait3A_255] : memref<8192x1024xf32, #tpu.memory_space<hbm>> -> memref<8x512xf32, #tpu.memory_space<hbm>>
      %dma_wait3A_257 = arith.constant 0 : i32
      %dma_wait3A_258 = arith.constant 0 : i32
      %dma_wait3A_259 = tpu.memref_slice %arg3[%dma_wait3A_257, %dma_wait3A_258] : memref<8192x1024xf32, #tpu.memory_space<hbm>> -> memref<8x512xf32, #tpu.memory_space<hbm>>
      tpu.wait_dma2 semaphore(%arg24 : memref<!tpu.dma_semaphore, #tpu.memory_space<semaphore_mem>>) src(%dma_wait3A_259 : memref<8x512xf32, #tpu.memory_space<hbm>>) dst(%arg12 : memref<8x512xf32, #tpu.memory_space<vmem>>)
      %dma_wait3A_260 = arith.constant 0 : i32
      %dma_wait3A_261 = arith.constant 0 : i32
      %dma_wait3A_262 = arith.constant 0 : i32
      %dma_wait3A_263 = tpu.memref_slice %arg2[%dma_wait3A_260, %dma_wait3A_261, %dma_wait3A_262] : memref<4x8192x1024xf32, #tpu.memory_space<hbm>> -> memref<4x8x512xf32, #tpu.memory_space<hbm>>
      %dma_wait3A_264 = arith.constant 0 : i32
      %dma_wait3A_265 = arith.constant 0 : i32
      %dma_wait3A_266 = arith.constant 0 : i32
      %dma_wait3A_267 = tpu.memref_slice %arg2[%dma_wait3A_264, %dma_wait3A_265, %dma_wait3A_266] : memref<4x8192x1024xf32, #tpu.memory_space<hbm>> -> memref<4x8x512xf32, #tpu.memory_space<hbm>>
      tpu.wait_dma2 semaphore(%arg18 : memref<!tpu.dma_semaphore, #tpu.memory_space<semaphore_mem>>) src(%dma_wait3A_267 : memref<4x8x512xf32, #tpu.memory_space<hbm>>) dst(%arg6 : memref<4x8x512xf32, #tpu.memory_space<vmem>>)
      %parallel_loop3A_268 = arith.constant 0 : i32
      %parallel_loop3A_269 = arith.constant 4096 : i32
      %parallel_loop3A_270 = arith.constant 16 : i32
      scf.for %parallel_loop3A_490 = %parallel_loop3A_268 to %parallel_loop3A_269 step %parallel_loop3A_270  : i32 {
        %parallel_loop3A_491 = arith.constant 9 : i32
        %parallel_loop3A_492 = arith.shrsi %parallel_loop3A_490, %parallel_loop3A_491 : i32
        %parallel_loop3A_493 = arith.constant 511 : i32
        %parallel_loop3A_494 = arith.andi %parallel_loop3A_490, %parallel_loop3A_493 : i32
        %parallel_loop3A_495 = tpu.assume_multiple %parallel_loop3A_494, 16 : i32
        %parallel_loop3A_496 = arith.index_cast %parallel_loop3A_492 : i32 to index
        %parallel_loop3A_497 = arith.index_cast %parallel_loop3A_495 : i32 to index
        %parallel_loop3A_498 = tpu.vector_load %arg12[%parallel_loop3A_496, %parallel_loop3A_497] {strides = array<i32>} : memref<8x512xf32, #tpu.memory_space<vmem>>, vector<1x16xf32>,
        %parallel_loop3A_499 = vector.shape_cast %parallel_loop3A_498 : vector<1x16xf32> to vector<16xf32>
        %parallel_loop3A_500 = arith.constant 0 : i32
        %parallel_loop3A_501 = arith.index_cast %parallel_loop3A_500 : i32 to index
        %parallel_loop3A_502 = arith.index_cast %parallel_loop3A_492 : i32 to index
        %parallel_loop3A_503 = arith.index_cast %parallel_loop3A_495 : i32 to index
        %parallel_loop3A_504 = tpu.vector_load %arg6[%parallel_loop3A_501, %parallel_loop3A_502, %parallel_loop3A_503] {strides = array<i32>} : memref<4x8x512xf32, #tpu.memory_space<vmem>>, vector<1x1x16xf32>,
        %parallel_loop3A_505 = vector.shape_cast %parallel_loop3A_504 : vector<1x1x16xf32> to vector<16xf32>
        %parallel_loop3A_506 = vector.shape_cast %parallel_loop3A_499 : vector<16xf32> to vector<1x1x16xf32>
        tpu.vector_store %arg6[%parallel_loop3A_501, %parallel_loop3A_502, %parallel_loop3A_503], %parallel_loop3A_506 {add = true, strides = array<i32>} : memref<4x8x512xf32, #tpu.memory_space<vmem>>, vector<1x1x16xf32>,
        %parallel_loop3A_507 = arith.constant 1 : i32
        %parallel_loop3A_508 = arith.index_cast %parallel_loop3A_507 : i32 to index
        %parallel_loop3A_509 = arith.index_cast %parallel_loop3A_492 : i32 to index
        %parallel_loop3A_510 = arith.index_cast %parallel_loop3A_495 : i32 to index
        %parallel_loop3A_511 = tpu.vector_load %arg6[%parallel_loop3A_508, %parallel_loop3A_509, %parallel_loop3A_510] {strides = array<i32>} : memref<4x8x512xf32, #tpu.memory_space<vmem>>, vector<1x1x16xf32>,
        %parallel_loop3A_512 = vector.shape_cast %parallel_loop3A_511 : vector<1x1x16xf32> to vector<16xf32>
        %parallel_loop3A_513 = vector.shape_cast %parallel_loop3A_499 : vector<16xf32> to vector<1x1x16xf32>
        tpu.vector_store %arg6[%parallel_loop3A_508, %parallel_loop3A_509, %parallel_loop3A_510], %parallel_loop3A_513 {add = true, strides = array<i32>} : memref<4x8x512xf32, #tpu.memory_space<vmem>>, vector<1x1x16xf32>,
        %parallel_loop3A_514 = arith.constant 2 : i32
        %parallel_loop3A_515 = arith.index_cast %parallel_loop3A_514 : i32 to index
        %parallel_loop3A_516 = arith.index_cast %parallel_loop3A_492 : i32 to index
        %parallel_loop3A_517 = arith.index_cast %parallel_loop3A_495 : i32 to index
        %parallel_loop3A_518 = tpu.vector_load %arg6[%parallel_loop3A_515, %parallel_loop3A_516, %parallel_loop3A_517] {strides = array<i32>} : memref<4x8x512xf32, #tpu.memory_space<vmem>>, vector<1x1x16xf32>,
        %parallel_loop3A_519 = vector.shape_cast %parallel_loop3A_518 : vector<1x1x16xf32> to vector<16xf32>
        %parallel_loop3A_520 = vector.shape_cast %parallel_loop3A_499 : vector<16xf32> to vector<1x1x16xf32>
        tpu.vector_store %arg6[%parallel_loop3A_515, %parallel_loop3A_516, %parallel_loop3A_517], %parallel_loop3A_520 {add = true, strides = array<i32>} : memref<4x8x512xf32, #tpu.memory_space<vmem>>, vector<1x1x16xf32>,
        %parallel_loop3A_521 = arith.constant 3 : i32
        %parallel_loop3A_522 = arith.index_cast %parallel_loop3A_521 : i32 to index
        %parallel_loop3A_523 = arith.index_cast %parallel_loop3A_492 : i32 to index
        %parallel_loop3A_524 = arith.index_cast %parallel_loop3A_495 : i32 to index
        %parallel_loop3A_525 = tpu.vector_load %arg6[%parallel_loop3A_522, %parallel_loop3A_523, %parallel_loop3A_524] {strides = array<i32>} : memref<4x8x512xf32, #tpu.memory_space<vmem>>, vector<1x1x16xf32>,
        %parallel_loop3A_526 = vector.shape_cast %parallel_loop3A_525 : vector<1x1x16xf32> to vector<16xf32>
        %parallel_loop3A_527 = vector.shape_cast %parallel_loop3A_499 : vector<16xf32> to vector<1x1x16xf32>
        tpu.vector_store %arg6[%parallel_loop3A_522, %parallel_loop3A_523, %parallel_loop3A_524], %parallel_loop3A_527 {add = true, strides = array<i32>} : memref<4x8x512xf32, #tpu.memory_space<vmem>>, vector<1x1x16xf32>,
      } {sc.loop_unroll_factor = 4 : i64, sc.parallel_access}
      %shift_right_arithmetic3A_271 = arith.constant 1 : i32
      %shift_right_arithmetic3A_272 = arith.shrsi %add3A_253, %shift_right_arithmetic3A_271 : i32
      %mul3A_273 = arith.constant 8 : i32
      %mul3A_274 = arith.muli %shift_right_arithmetic3A_272, %mul3A_273 : i32
      %add3A_275 = arith.addi %mul3A_2, %mul3A_274 : i32
      %multiple_of3A_276 = tpu.assume_multiple %add3A_275, 8 : i32
      %and3A_277 = arith.constant 1 : i32
      %and3A_278 = arith.andi %add3A_253, %and3A_277 : i32
      %shift_left3A_279 = arith.constant 9 : i32
      %shift_left3A_280 = arith.shli %and3A_278, %shift_left3A_279 : i32
      %multiple_of3A_281 = tpu.assume_multiple %shift_left3A_280, 512 : i32
      %dma_start3A_282 = arith.constant 0 : i32
      %dma_start3A_283 = tpu.memref_slice %arg4[%dma_start3A_282, %multiple_of3A_276, %multiple_of3A_281] : memref<4x8192x1024xf32, #tpu.memory_space<hbm>> -> memref<4x8x512xf32, #tpu.memory_space<hbm>>
      %dma_start3A_284 = arith.constant 0 : i32
      %dma_start3A_285 = tpu.memref_slice %arg4[%dma_start3A_284, %multiple_of3A_276, %multiple_of3A_281] : memref<4x8192x1024xf32, #tpu.memory_space<hbm>> -> memref<4x8x512xf32, #tpu.memory_space<hbm>>
      tpu.enqueue_dma source(%arg6 : memref<4x8x512xf32, #tpu.memory_space<vmem>>) target(%dma_start3A_285 : memref<4x8x512xf32, #tpu.memory_space<hbm>>) target_semaphore(%arg30 : memref<!tpu.dma_semaphore, #tpu.memory_space<semaphore_mem>>)
      %ge3A_286 = arith.constant 2 : i32
      %ge3A_287 = arith.cmpi sge, %add3A_253, %ge3A_286 : i32
      %convert_element_type3A_288 = arith.extui %ge3A_287 : i1 to i32
      %cond3A_289 = arith.constant 0 : i32
      %cond3A_290 = arith.cmpi ne, %convert_element_type3A_288, %cond3A_289 : i32
      scf.if %cond3A_290 {
        %dma_wait3A_490 = arith.constant 0 : i32
        %dma_wait3A_491 = arith.constant 0 : i32
        %dma_wait3A_492 = arith.constant 0 : i32
        %dma_wait3A_493 = tpu.memref_slice %arg4[%dma_wait3A_490, %dma_wait3A_491, %dma_wait3A_492] : memref<4x8192x1024xf32, #tpu.memory_space<hbm>> -> memref<4x8x512xf32, #tpu.memory_space<hbm>>
        %dma_wait3A_494 = arith.constant 0 : i32
        %dma_wait3A_495 = arith.constant 0 : i32
        %dma_wait3A_496 = arith.constant 0 : i32
        %dma_wait3A_497 = tpu.memref_slice %arg4[%dma_wait3A_494, %dma_wait3A_495, %dma_wait3A_496] : memref<4x8192x1024xf32, #tpu.memory_space<hbm>> -> memref<4x8x512xf32, #tpu.memory_space<hbm>>
        tpu.wait_dma2 semaphore(%arg34 : memref<!tpu.dma_semaphore, #tpu.memory_space<semaphore_mem>>) src(%arg10 : memref<4x8x512xf32, #tpu.memory_space<vmem>>) dst(%dma_wait3A_497 : memref<4x8x512xf32, #tpu.memory_space<hbm>>)
      } else {
      }
      %add3A_291 = arith.constant 4 : i32
      %add3A_292 = arith.addi %add3A_253, %add3A_291 : i32
      %lt3A_293 = arith.constant 64 : i32
      %lt3A_294 = arith.cmpi slt, %add3A_292, %lt3A_293 : i32
      %convert_element_type3A_295 = arith.extui %lt3A_294 : i1 to i32
      %cond3A_296 = arith.constant 0 : i32
      %cond3A_297 = arith.cmpi ne, %convert_element_type3A_295, %cond3A_296 : i32
      scf.if %cond3A_297 {
        %add3A_490 = arith.constant 4 : i32
        %add3A_491 = arith.addi %add3A_253, %add3A_490 : i32
        %shift_right_arithmetic3A_492 = arith.constant 1 : i32
        %shift_right_arithmetic3A_493 = arith.shrsi %add3A_491, %shift_right_arithmetic3A_492 : i32
        %mul3A_494 = arith.constant 8 : i32
        %mul3A_495 = arith.muli %shift_right_arithmetic3A_493, %mul3A_494 : i32
        %add3A_496 = arith.addi %mul3A_2, %mul3A_495 : i32
        %multiple_of3A_497 = tpu.assume_multiple %add3A_496, 8 : i32
        %and3A_498 = arith.constant 1 : i32
        %and3A_499 = arith.andi %add3A_491, %and3A_498 : i32
        %shift_left3A_500 = arith.constant 9 : i32
        %shift_left3A_501 = arith.shli %and3A_499, %shift_left3A_500 : i32
        %multiple_of3A_502 = tpu.assume_multiple %shift_left3A_501, 512 : i32
        %dma_start3A_503 = tpu.memref_slice %arg3[%multiple_of3A_497, %multiple_of3A_502] : memref<8192x1024xf32, #tpu.memory_space<hbm>> -> memref<8x512xf32, #tpu.memory_space<hbm>>
        %dma_start3A_504 = tpu.memref_slice %arg3[%multiple_of3A_497, %multiple_of3A_502] : memref<8192x1024xf32, #tpu.memory_space<hbm>> -> memref<8x512xf32, #tpu.memory_space<hbm>>
        tpu.enqueue_dma source(%dma_start3A_504 : memref<8x512xf32, #tpu.memory_space<hbm>>) target(%arg16 : memref<8x512xf32, #tpu.memory_space<vmem>>) target_semaphore(%arg28 : memref<!tpu.dma_semaphore, #tpu.memory_space<semaphore_mem>>)
        %dma_start3A_505 = arith.constant 0 : i32
        %dma_start3A_506 = tpu.memref_slice %arg2[%dma_start3A_505, %multiple_of3A_497, %multiple_of3A_502] : memref<4x8192x1024xf32, #tpu.memory_space<hbm>> -> memref<4x8x512xf32, #tpu.memory_space<hbm>>
        %dma_start3A_507 = arith.constant 0 : i32
        %dma_start3A_508 = tpu.memref_slice %arg2[%dma_start3A_507, %multiple_of3A_497, %multiple_of3A_502] : memref<4x8192x1024xf32, #tpu.memory_space<hbm>> -> memref<4x8x512xf32, #tpu.memory_space<hbm>>
        tpu.enqueue_dma source(%dma_start3A_508 : memref<4x8x512xf32, #tpu.memory_space<hbm>>) target(%arg10 : memref<4x8x512xf32, #tpu.memory_space<vmem>>) target_semaphore(%arg22 : memref<!tpu.dma_semaphore, #tpu.memory_space<semaphore_mem>>)
      } else {
      }
      %mul3A_298 = arith.constant 6 : i32
      %mul3A_299 = arith.muli %scan3A_208, %mul3A_298 : i32
      %add3A_300 = arith.constant 2 : i32
      %add3A_301 = arith.addi %mul3A_299, %add3A_300 : i32
      %dma_wait3A_302 = arith.constant 0 : i32
      %dma_wait3A_303 = arith.constant 0 : i32
      %dma_wait3A_304 = tpu.memref_slice %arg3[%dma_wait3A_302, %dma_wait3A_303] : memref<8192x1024xf32, #tpu.memory_space<hbm>> -> memref<8x512xf32, #tpu.memory_space<hbm>>
      %dma_wait3A_305 = arith.constant 0 : i32
      %dma_wait3A_306 = arith.constant 0 : i32
      %dma_wait3A_307 = tpu.memref_slice %arg3[%dma_wait3A_305, %dma_wait3A_306] : memref<8192x1024xf32, #tpu.memory_space<hbm>> -> memref<8x512xf32, #tpu.memory_space<hbm>>
      tpu.wait_dma2 semaphore(%arg25 : memref<!tpu.dma_semaphore, #tpu.memory_space<semaphore_mem>>) src(%dma_wait3A_307 : memref<8x512xf32, #tpu.memory_space<hbm>>) dst(%arg13 : memref<8x512xf32, #tpu.memory_space<vmem>>)
      %dma_wait3A_308 = arith.constant 0 : i32
      %dma_wait3A_309 = arith.constant 0 : i32
      %dma_wait3A_310 = arith.constant 0 : i32
      %dma_wait3A_311 = tpu.memref_slice %arg2[%dma_wait3A_308, %dma_wait3A_309, %dma_wait3A_310] : memref<4x8192x1024xf32, #tpu.memory_space<hbm>> -> memref<4x8x512xf32, #tpu.memory_space<hbm>>
      %dma_wait3A_312 = arith.constant 0 : i32
      %dma_wait3A_313 = arith.constant 0 : i32
      %dma_wait3A_314 = arith.constant 0 : i32
      %dma_wait3A_315 = tpu.memref_slice %arg2[%dma_wait3A_312, %dma_wait3A_313, %dma_wait3A_314] : memref<4x8192x1024xf32, #tpu.memory_space<hbm>> -> memref<4x8x512xf32, #tpu.memory_space<hbm>>
      tpu.wait_dma2 semaphore(%arg19 : memref<!tpu.dma_semaphore, #tpu.memory_space<semaphore_mem>>) src(%dma_wait3A_315 : memref<4x8x512xf32, #tpu.memory_space<hbm>>) dst(%arg7 : memref<4x8x512xf32, #tpu.memory_space<vmem>>)
      %parallel_loop3A_316 = arith.constant 0 : i32
      %parallel_loop3A_317 = arith.constant 4096 : i32
      %parallel_loop3A_318 = arith.constant 16 : i32
      scf.for %parallel_loop3A_490 = %parallel_loop3A_316 to %parallel_loop3A_317 step %parallel_loop3A_318  : i32 {
        %parallel_loop3A_491 = arith.constant 9 : i32
        %parallel_loop3A_492 = arith.shrsi %parallel_loop3A_490, %parallel_loop3A_491 : i32
        %parallel_loop3A_493 = arith.constant 511 : i32
        %parallel_loop3A_494 = arith.andi %parallel_loop3A_490, %parallel_loop3A_493 : i32
        %parallel_loop3A_495 = tpu.assume_multiple %parallel_loop3A_494, 16 : i32
        %parallel_loop3A_496 = arith.index_cast %parallel_loop3A_492 : i32 to index
        %parallel_loop3A_497 = arith.index_cast %parallel_loop3A_495 : i32 to index
        %parallel_loop3A_498 = tpu.vector_load %arg13[%parallel_loop3A_496, %parallel_loop3A_497] {strides = array<i32>} : memref<8x512xf32, #tpu.memory_space<vmem>>, vector<1x16xf32>,
        %parallel_loop3A_499 = vector.shape_cast %parallel_loop3A_498 : vector<1x16xf32> to vector<16xf32>
        %parallel_loop3A_500 = arith.constant 0 : i32
        %parallel_loop3A_501 = arith.index_cast %parallel_loop3A_500 : i32 to index
        %parallel_loop3A_502 = arith.index_cast %parallel_loop3A_492 : i32 to index
        %parallel_loop3A_503 = arith.index_cast %parallel_loop3A_495 : i32 to index
        %parallel_loop3A_504 = tpu.vector_load %arg7[%parallel_loop3A_501, %parallel_loop3A_502, %parallel_loop3A_503] {strides = array<i32>} : memref<4x8x512xf32, #tpu.memory_space<vmem>>, vector<1x1x16xf32>,
        %parallel_loop3A_505 = vector.shape_cast %parallel_loop3A_504 : vector<1x1x16xf32> to vector<16xf32>
        %parallel_loop3A_506 = vector.shape_cast %parallel_loop3A_499 : vector<16xf32> to vector<1x1x16xf32>
        tpu.vector_store %arg7[%parallel_loop3A_501, %parallel_loop3A_502, %parallel_loop3A_503], %parallel_loop3A_506 {add = true, strides = array<i32>} : memref<4x8x512xf32, #tpu.memory_space<vmem>>, vector<1x1x16xf32>,
        %parallel_loop3A_507 = arith.constant 1 : i32
        %parallel_loop3A_508 = arith.index_cast %parallel_loop3A_507 : i32 to index
        %parallel_loop3A_509 = arith.index_cast %parallel_loop3A_492 : i32 to index
        %parallel_loop3A_510 = arith.index_cast %parallel_loop3A_495 : i32 to index
        %parallel_loop3A_511 = tpu.vector_load %arg7[%parallel_loop3A_508, %parallel_loop3A_509, %parallel_loop3A_510] {strides = array<i32>} : memref<4x8x512xf32, #tpu.memory_space<vmem>>, vector<1x1x16xf32>,
        %parallel_loop3A_512 = vector.shape_cast %parallel_loop3A_511 : vector<1x1x16xf32> to vector<16xf32>
        %parallel_loop3A_513 = vector.shape_cast %parallel_loop3A_499 : vector<16xf32> to vector<1x1x16xf32>
        tpu.vector_store %arg7[%parallel_loop3A_508, %parallel_loop3A_509, %parallel_loop3A_510], %parallel_loop3A_513 {add = true, strides = array<i32>} : memref<4x8x512xf32, #tpu.memory_space<vmem>>, vector<1x1x16xf32>,
        %parallel_loop3A_514 = arith.constant 2 : i32
        %parallel_loop3A_515 = arith.index_cast %parallel_loop3A_514 : i32 to index
        %parallel_loop3A_516 = arith.index_cast %parallel_loop3A_492 : i32 to index
        %parallel_loop3A_517 = arith.index_cast %parallel_loop3A_495 : i32 to index
        %parallel_loop3A_518 = tpu.vector_load %arg7[%parallel_loop3A_515, %parallel_loop3A_516, %parallel_loop3A_517] {strides = array<i32>} : memref<4x8x512xf32, #tpu.memory_space<vmem>>, vector<1x1x16xf32>,
        %parallel_loop3A_519 = vector.shape_cast %parallel_loop3A_518 : vector<1x1x16xf32> to vector<16xf32>
        %parallel_loop3A_520 = vector.shape_cast %parallel_loop3A_499 : vector<16xf32> to vector<1x1x16xf32>
        tpu.vector_store %arg7[%parallel_loop3A_515, %parallel_loop3A_516, %parallel_loop3A_517], %parallel_loop3A_520 {add = true, strides = array<i32>} : memref<4x8x512xf32, #tpu.memory_space<vmem>>, vector<1x1x16xf32>,
        %parallel_loop3A_521 = arith.constant 3 : i32
        %parallel_loop3A_522 = arith.index_cast %parallel_loop3A_521 : i32 to index
        %parallel_loop3A_523 = arith.index_cast %parallel_loop3A_492 : i32 to index
        %parallel_loop3A_524 = arith.index_cast %parallel_loop3A_495 : i32 to index
        %parallel_loop3A_525 = tpu.vector_load %arg7[%parallel_loop3A_522, %parallel_loop3A_523, %parallel_loop3A_524] {strides = array<i32>} : memref<4x8x512xf32, #tpu.memory_space<vmem>>, vector<1x1x16xf32>,
        %parallel_loop3A_526 = vector.shape_cast %parallel_loop3A_525 : vector<1x1x16xf32> to vector<16xf32>
        %parallel_loop3A_527 = vector.shape_cast %parallel_loop3A_499 : vector<16xf32> to vector<1x1x16xf32>
        tpu.vector_store %arg7[%parallel_loop3A_522, %parallel_loop3A_523, %parallel_loop3A_524], %parallel_loop3A_527 {add = true, strides = array<i32>} : memref<4x8x512xf32, #tpu.memory_space<vmem>>, vector<1x1x16xf32>,
      } {sc.loop_unroll_factor = 4 : i64, sc.parallel_access}
      %shift_right_arithmetic3A_319 = arith.constant 1 : i32
      %shift_right_arithmetic3A_320 = arith.shrsi %add3A_301, %shift_right_arithmetic3A_319 : i32
      %mul3A_321 = arith.constant 8 : i32
      %mul3A_322 = arith.muli %shift_right_arithmetic3A_320, %mul3A_321 : i32
      %add3A_323 = arith.addi %mul3A_2, %mul3A_322 : i32
      %multiple_of3A_324 = tpu.assume_multiple %add3A_323, 8 : i32
      %and3A_325 = arith.constant 1 : i32
      %and3A_326 = arith.andi %add3A_301, %and3A_325 : i32
      %shift_left3A_327 = arith.constant 9 : i32
      %shift_left3A_328 = arith.shli %and3A_326, %shift_left3A_327 : i32
      %multiple_of3A_329 = tpu.assume_multiple %shift_left3A_328, 512 : i32
      %dma_start3A_330 = arith.constant 0 : i32
      %dma_start3A_331 = tpu.memref_slice %arg4[%dma_start3A_330, %multiple_of3A_324, %multiple_of3A_329] : memref<4x8192x1024xf32, #tpu.memory_space<hbm>> -> memref<4x8x512xf32, #tpu.memory_space<hbm>>
      %dma_start3A_332 = arith.constant 0 : i32
      %dma_start3A_333 = tpu.memref_slice %arg4[%dma_start3A_332, %multiple_of3A_324, %multiple_of3A_329] : memref<4x8192x1024xf32, #tpu.memory_space<hbm>> -> memref<4x8x512xf32, #tpu.memory_space<hbm>>
      tpu.enqueue_dma source(%arg7 : memref<4x8x512xf32, #tpu.memory_space<vmem>>) target(%dma_start3A_333 : memref<4x8x512xf32, #tpu.memory_space<hbm>>) target_semaphore(%arg31 : memref<!tpu.dma_semaphore, #tpu.memory_space<semaphore_mem>>)
      %ge3A_334 = arith.constant 2 : i32
      %ge3A_335 = arith.cmpi sge, %add3A_301, %ge3A_334 : i32
      %convert_element_type3A_336 = arith.extui %ge3A_335 : i1 to i32
      %cond3A_337 = arith.constant 0 : i32
      %cond3A_338 = arith.cmpi ne, %convert_element_type3A_336, %cond3A_337 : i32
      scf.if %cond3A_338 {
        %dma_wait3A_490 = arith.constant 0 : i32
        %dma_wait3A_491 = arith.constant 0 : i32
        %dma_wait3A_492 = arith.constant 0 : i32
        %dma_wait3A_493 = tpu.memref_slice %arg4[%dma_wait3A_490, %dma_wait3A_491, %dma_wait3A_492] : memref<4x8192x1024xf32, #tpu.memory_space<hbm>> -> memref<4x8x512xf32, #tpu.memory_space<hbm>>
        %dma_wait3A_494 = arith.constant 0 : i32
        %dma_wait3A_495 = arith.constant 0 : i32
        %dma_wait3A_496 = arith.constant 0 : i32
        %dma_wait3A_497 = tpu.memref_slice %arg4[%dma_wait3A_494, %dma_wait3A_495, %dma_wait3A_496] : memref<4x8192x1024xf32, #tpu.memory_space<hbm>> -> memref<4x8x512xf32, #tpu.memory_space<hbm>>
        tpu.wait_dma2 semaphore(%arg29 : memref<!tpu.dma_semaphore, #tpu.memory_space<semaphore_mem>>) src(%arg5 : memref<4x8x512xf32, #tpu.memory_space<vmem>>) dst(%dma_wait3A_497 : memref<4x8x512xf32, #tpu.memory_space<hbm>>)
      } else {
      }
      %add3A_339 = arith.constant 4 : i32
      %add3A_340 = arith.addi %add3A_301, %add3A_339 : i32
      %lt3A_341 = arith.constant 64 : i32
      %lt3A_342 = arith.cmpi slt, %add3A_340, %lt3A_341 : i32
      %convert_element_type3A_343 = arith.extui %lt3A_342 : i1 to i32
      %cond3A_344 = arith.constant 0 : i32
      %cond3A_345 = arith.cmpi ne, %convert_element_type3A_343, %cond3A_344 : i32
      scf.if %cond3A_345 {
        %add3A_490 = arith.constant 4 : i32
        %add3A_491 = arith.addi %add3A_301, %add3A_490 : i32
        %shift_right_arithmetic3A_492 = arith.constant 1 : i32
        %shift_right_arithmetic3A_493 = arith.shrsi %add3A_491, %shift_right_arithmetic3A_492 : i32
        %mul3A_494 = arith.constant 8 : i32
        %mul3A_495 = arith.muli %shift_right_arithmetic3A_493, %mul3A_494 : i32
        %add3A_496 = arith.addi %mul3A_2, %mul3A_495 : i32
        %multiple_of3A_497 = tpu.assume_multiple %add3A_496, 8 : i32
        %and3A_498 = arith.constant 1 : i32
        %and3A_499 = arith.andi %add3A_491, %and3A_498 : i32
        %shift_left3A_500 = arith.constant 9 : i32
        %shift_left3A_501 = arith.shli %and3A_499, %shift_left3A_500 : i32
        %multiple_of3A_502 = tpu.assume_multiple %shift_left3A_501, 512 : i32
        %dma_start3A_503 = tpu.memref_slice %arg3[%multiple_of3A_497, %multiple_of3A_502] : memref<8192x1024xf32, #tpu.memory_space<hbm>> -> memref<8x512xf32, #tpu.memory_space<hbm>>
        %dma_start3A_504 = tpu.memref_slice %arg3[%multiple_of3A_497, %multiple_of3A_502] : memref<8192x1024xf32, #tpu.memory_space<hbm>> -> memref<8x512xf32, #tpu.memory_space<hbm>>
        tpu.enqueue_dma source(%dma_start3A_504 : memref<8x512xf32, #tpu.memory_space<hbm>>) target(%arg11 : memref<8x512xf32, #tpu.memory_space<vmem>>) target_semaphore(%arg23 : memref<!tpu.dma_semaphore, #tpu.memory_space<semaphore_mem>>)
        %dma_start3A_505 = arith.constant 0 : i32
        %dma_start3A_506 = tpu.memref_slice %arg2[%dma_start3A_505, %multiple_of3A_497, %multiple_of3A_502] : memref<4x8192x1024xf32, #tpu.memory_space<hbm>> -> memref<4x8x512xf32, #tpu.memory_space<hbm>>
        %dma_start3A_507 = arith.constant 0 : i32
        %dma_start3A_508 = tpu.memref_slice %arg2[%dma_start3A_507, %multiple_of3A_497, %multiple_of3A_502] : memref<4x8192x1024xf32, #tpu.memory_space<hbm>> -> memref<4x8x512xf32, #tpu.memory_space<hbm>>
        tpu.enqueue_dma source(%dma_start3A_508 : memref<4x8x512xf32, #tpu.memory_space<hbm>>) target(%arg5 : memref<4x8x512xf32, #tpu.memory_space<vmem>>) target_semaphore(%arg17 : memref<!tpu.dma_semaphore, #tpu.memory_space<semaphore_mem>>)
      } else {
      }
      %mul3A_346 = arith.constant 6 : i32
      %mul3A_347 = arith.muli %scan3A_208, %mul3A_346 : i32
      %add3A_348 = arith.constant 3 : i32
      %add3A_349 = arith.addi %mul3A_347, %add3A_348 : i32
      %dma_wait3A_350 = arith.constant 0 : i32
      %dma_wait3A_351 = arith.constant 0 : i32
      %dma_wait3A_352 = tpu.memref_slice %arg3[%dma_wait3A_350, %dma_wait3A_351] : memref<8192x1024xf32, #tpu.memory_space<hbm>> -> memref<8x512xf32, #tpu.memory_space<hbm>>
      %dma_wait3A_353 = arith.constant 0 : i32
      %dma_wait3A_354 = arith.constant 0 : i32
      %dma_wait3A_355 = tpu.memref_slice %arg3[%dma_wait3A_353, %dma_wait3A_354] : memref<8192x1024xf32, #tpu.memory_space<hbm>> -> memref<8x512xf32, #tpu.memory_space<hbm>>
      tpu.wait_dma2 semaphore(%arg26 : memref<!tpu.dma_semaphore, #tpu.memory_space<semaphore_mem>>) src(%dma_wait3A_355 : memref<8x512xf32, #tpu.memory_space<hbm>>) dst(%arg14 : memref<8x512xf32, #tpu.memory_space<vmem>>)
      %dma_wait3A_356 = arith.constant 0 : i32
      %dma_wait3A_357 = arith.constant 0 : i32
      %dma_wait3A_358 = arith.constant 0 : i32
      %dma_wait3A_359 = tpu.memref_slice %arg2[%dma_wait3A_356, %dma_wait3A_357, %dma_wait3A_358] : memref<4x8192x1024xf32, #tpu.memory_space<hbm>> -> memref<4x8x512xf32, #tpu.memory_space<hbm>>
      %dma_wait3A_360 = arith.constant 0 : i32
      %dma_wait3A_361 = arith.constant 0 : i32
      %dma_wait3A_362 = arith.constant 0 : i32
      %dma_wait3A_363 = tpu.memref_slice %arg2[%dma_wait3A_360, %dma_wait3A_361, %dma_wait3A_362] : memref<4x8192x1024xf32, #tpu.memory_space<hbm>> -> memref<4x8x512xf32, #tpu.memory_space<hbm>>
      tpu.wait_dma2 semaphore(%arg20 : memref<!tpu.dma_semaphore, #tpu.memory_space<semaphore_mem>>) src(%dma_wait3A_363 : memref<4x8x512xf32, #tpu.memory_space<hbm>>) dst(%arg8 : memref<4x8x512xf32, #tpu.memory_space<vmem>>)
      %parallel_loop3A_364 = arith.constant 0 : i32
      %parallel_loop3A_365 = arith.constant 4096 : i32
      %parallel_loop3A_366 = arith.constant 16 : i32
      scf.for %parallel_loop3A_490 = %parallel_loop3A_364 to %parallel_loop3A_365 step %parallel_loop3A_366  : i32 {
        %parallel_loop3A_491 = arith.constant 9 : i32
        %parallel_loop3A_492 = arith.shrsi %parallel_loop3A_490, %parallel_loop3A_491 : i32
        %parallel_loop3A_493 = arith.constant 511 : i32
        %parallel_loop3A_494 = arith.andi %parallel_loop3A_490, %parallel_loop3A_493 : i32
        %parallel_loop3A_495 = tpu.assume_multiple %parallel_loop3A_494, 16 : i32
        %parallel_loop3A_496 = arith.index_cast %parallel_loop3A_492 : i32 to index
        %parallel_loop3A_497 = arith.index_cast %parallel_loop3A_495 : i32 to index
        %parallel_loop3A_498 = tpu.vector_load %arg14[%parallel_loop3A_496, %parallel_loop3A_497] {strides = array<i32>} : memref<8x512xf32, #tpu.memory_space<vmem>>, vector<1x16xf32>,
        %parallel_loop3A_499 = vector.shape_cast %parallel_loop3A_498 : vector<1x16xf32> to vector<16xf32>
        %parallel_loop3A_500 = arith.constant 0 : i32
        %parallel_loop3A_501 = arith.index_cast %parallel_loop3A_500 : i32 to index
        %parallel_loop3A_502 = arith.index_cast %parallel_loop3A_492 : i32 to index
        %parallel_loop3A_503 = arith.index_cast %parallel_loop3A_495 : i32 to index
        %parallel_loop3A_504 = tpu.vector_load %arg8[%parallel_loop3A_501, %parallel_loop3A_502, %parallel_loop3A_503] {strides = array<i32>} : memref<4x8x512xf32, #tpu.memory_space<vmem>>, vector<1x1x16xf32>,
        %parallel_loop3A_505 = vector.shape_cast %parallel_loop3A_504 : vector<1x1x16xf32> to vector<16xf32>
        %parallel_loop3A_506 = vector.shape_cast %parallel_loop3A_499 : vector<16xf32> to vector<1x1x16xf32>
        tpu.vector_store %arg8[%parallel_loop3A_501, %parallel_loop3A_502, %parallel_loop3A_503], %parallel_loop3A_506 {add = true, strides = array<i32>} : memref<4x8x512xf32, #tpu.memory_space<vmem>>, vector<1x1x16xf32>,
        %parallel_loop3A_507 = arith.constant 1 : i32
        %parallel_loop3A_508 = arith.index_cast %parallel_loop3A_507 : i32 to index
        %parallel_loop3A_509 = arith.index_cast %parallel_loop3A_492 : i32 to index
        %parallel_loop3A_510 = arith.index_cast %parallel_loop3A_495 : i32 to index
        %parallel_loop3A_511 = tpu.vector_load %arg8[%parallel_loop3A_508, %parallel_loop3A_509, %parallel_loop3A_510] {strides = array<i32>} : memref<4x8x512xf32, #tpu.memory_space<vmem>>, vector<1x1x16xf32>,
        %parallel_loop3A_512 = vector.shape_cast %parallel_loop3A_511 : vector<1x1x16xf32> to vector<16xf32>
        %parallel_loop3A_513 = vector.shape_cast %parallel_loop3A_499 : vector<16xf32> to vector<1x1x16xf32>
        tpu.vector_store %arg8[%parallel_loop3A_508, %parallel_loop3A_509, %parallel_loop3A_510], %parallel_loop3A_513 {add = true, strides = array<i32>} : memref<4x8x512xf32, #tpu.memory_space<vmem>>, vector<1x1x16xf32>,
        %parallel_loop3A_514 = arith.constant 2 : i32
        %parallel_loop3A_515 = arith.index_cast %parallel_loop3A_514 : i32 to index
        %parallel_loop3A_516 = arith.index_cast %parallel_loop3A_492 : i32 to index
        %parallel_loop3A_517 = arith.index_cast %parallel_loop3A_495 : i32 to index
        %parallel_loop3A_518 = tpu.vector_load %arg8[%parallel_loop3A_515, %parallel_loop3A_516, %parallel_loop3A_517] {strides = array<i32>} : memref<4x8x512xf32, #tpu.memory_space<vmem>>, vector<1x1x16xf32>,
        %parallel_loop3A_519 = vector.shape_cast %parallel_loop3A_518 : vector<1x1x16xf32> to vector<16xf32>
        %parallel_loop3A_520 = vector.shape_cast %parallel_loop3A_499 : vector<16xf32> to vector<1x1x16xf32>
        tpu.vector_store %arg8[%parallel_loop3A_515, %parallel_loop3A_516, %parallel_loop3A_517], %parallel_loop3A_520 {add = true, strides = array<i32>} : memref<4x8x512xf32, #tpu.memory_space<vmem>>, vector<1x1x16xf32>,
        %parallel_loop3A_521 = arith.constant 3 : i32
        %parallel_loop3A_522 = arith.index_cast %parallel_loop3A_521 : i32 to index
        %parallel_loop3A_523 = arith.index_cast %parallel_loop3A_492 : i32 to index
        %parallel_loop3A_524 = arith.index_cast %parallel_loop3A_495 : i32 to index
        %parallel_loop3A_525 = tpu.vector_load %arg8[%parallel_loop3A_522, %parallel_loop3A_523, %parallel_loop3A_524] {strides = array<i32>} : memref<4x8x512xf32, #tpu.memory_space<vmem>>, vector<1x1x16xf32>,
        %parallel_loop3A_526 = vector.shape_cast %parallel_loop3A_525 : vector<1x1x16xf32> to vector<16xf32>
        %parallel_loop3A_527 = vector.shape_cast %parallel_loop3A_499 : vector<16xf32> to vector<1x1x16xf32>
        tpu.vector_store %arg8[%parallel_loop3A_522, %parallel_loop3A_523, %parallel_loop3A_524], %parallel_loop3A_527 {add = true, strides = array<i32>} : memref<4x8x512xf32, #tpu.memory_space<vmem>>, vector<1x1x16xf32>,
      } {sc.loop_unroll_factor = 4 : i64, sc.parallel_access}
      %shift_right_arithmetic3A_367 = arith.constant 1 : i32
      %shift_right_arithmetic3A_368 = arith.shrsi %add3A_349, %shift_right_arithmetic3A_367 : i32
      %mul3A_369 = arith.constant 8 : i32
      %mul3A_370 = arith.muli %shift_right_arithmetic3A_368, %mul3A_369 : i32
      %add3A_371 = arith.addi %mul3A_2, %mul3A_370 : i32
      %multiple_of3A_372 = tpu.assume_multiple %add3A_371, 8 : i32
      %and3A_373 = arith.constant 1 : i32
      %and3A_374 = arith.andi %add3A_349, %and3A_373 : i32
      %shift_left3A_375 = arith.constant 9 : i32
      %shift_left3A_376 = arith.shli %and3A_374, %shift_left3A_375 : i32
      %multiple_of3A_377 = tpu.assume_multiple %shift_left3A_376, 512 : i32
      %dma_start3A_378 = arith.constant 0 : i32
      %dma_start3A_379 = tpu.memref_slice %arg4[%dma_start3A_378, %multiple_of3A_372, %multiple_of3A_377] : memref<4x8192x1024xf32, #tpu.memory_space<hbm>> -> memref<4x8x512xf32, #tpu.memory_space<hbm>>
      %dma_start3A_380 = arith.constant 0 : i32
      %dma_start3A_381 = tpu.memref_slice %arg4[%dma_start3A_380, %multiple_of3A_372, %multiple_of3A_377] : memref<4x8192x1024xf32, #tpu.memory_space<hbm>> -> memref<4x8x512xf32, #tpu.memory_space<hbm>>
      tpu.enqueue_dma source(%arg8 : memref<4x8x512xf32, #tpu.memory_space<vmem>>) target(%dma_start3A_381 : memref<4x8x512xf32, #tpu.memory_space<hbm>>) target_semaphore(%arg32 : memref<!tpu.dma_semaphore, #tpu.memory_space<semaphore_mem>>)
      %ge3A_382 = arith.constant 2 : i32
      %ge3A_383 = arith.cmpi sge, %add3A_349, %ge3A_382 : i32
      %convert_element_type3A_384 = arith.extui %ge3A_383 : i1 to i32
      %cond3A_385 = arith.constant 0 : i32
      %cond3A_386 = arith.cmpi ne, %convert_element_type3A_384, %cond3A_385 : i32
      scf.if %cond3A_386 {
        %dma_wait3A_490 = arith.constant 0 : i32
        %dma_wait3A_491 = arith.constant 0 : i32
        %dma_wait3A_492 = arith.constant 0 : i32
        %dma_wait3A_493 = tpu.memref_slice %arg4[%dma_wait3A_490, %dma_wait3A_491, %dma_wait3A_492] : memref<4x8192x1024xf32, #tpu.memory_space<hbm>> -> memref<4x8x512xf32, #tpu.memory_space<hbm>>
        %dma_wait3A_494 = arith.constant 0 : i32
        %dma_wait3A_495 = arith.constant 0 : i32
        %dma_wait3A_496 = arith.constant 0 : i32
        %dma_wait3A_497 = tpu.memref_slice %arg4[%dma_wait3A_494, %dma_wait3A_495, %dma_wait3A_496] : memref<4x8192x1024xf32, #tpu.memory_space<hbm>> -> memref<4x8x512xf32, #tpu.memory_space<hbm>>
        tpu.wait_dma2 semaphore(%arg30 : memref<!tpu.dma_semaphore, #tpu.memory_space<semaphore_mem>>) src(%arg6 : memref<4x8x512xf32, #tpu.memory_space<vmem>>) dst(%dma_wait3A_497 : memref<4x8x512xf32, #tpu.memory_space<hbm>>)
      } else {
      }
      %add3A_387 = arith.constant 4 : i32
      %add3A_388 = arith.addi %add3A_349, %add3A_387 : i32
      %lt3A_389 = arith.constant 64 : i32
      %lt3A_390 = arith.cmpi slt, %add3A_388, %lt3A_389 : i32
      %convert_element_type3A_391 = arith.extui %lt3A_390 : i1 to i32
      %cond3A_392 = arith.constant 0 : i32
      %cond3A_393 = arith.cmpi ne, %convert_element_type3A_391, %cond3A_392 : i32
      scf.if %cond3A_393 {
        %add3A_490 = arith.constant 4 : i32
        %add3A_491 = arith.addi %add3A_349, %add3A_490 : i32
        %shift_right_arithmetic3A_492 = arith.constant 1 : i32
        %shift_right_arithmetic3A_493 = arith.shrsi %add3A_491, %shift_right_arithmetic3A_492 : i32
        %mul3A_494 = arith.constant 8 : i32
        %mul3A_495 = arith.muli %shift_right_arithmetic3A_493, %mul3A_494 : i32
        %add3A_496 = arith.addi %mul3A_2, %mul3A_495 : i32
        %multiple_of3A_497 = tpu.assume_multiple %add3A_496, 8 : i32
        %and3A_498 = arith.constant 1 : i32
        %and3A_499 = arith.andi %add3A_491, %and3A_498 : i32
        %shift_left3A_500 = arith.constant 9 : i32
        %shift_left3A_501 = arith.shli %and3A_499, %shift_left3A_500 : i32
        %multiple_of3A_502 = tpu.assume_multiple %shift_left3A_501, 512 : i32
        %dma_start3A_503 = tpu.memref_slice %arg3[%multiple_of3A_497, %multiple_of3A_502] : memref<8192x1024xf32, #tpu.memory_space<hbm>> -> memref<8x512xf32, #tpu.memory_space<hbm>>
        %dma_start3A_504 = tpu.memref_slice %arg3[%multiple_of3A_497, %multiple_of3A_502] : memref<8192x1024xf32, #tpu.memory_space<hbm>> -> memref<8x512xf32, #tpu.memory_space<hbm>>
        tpu.enqueue_dma source(%dma_start3A_504 : memref<8x512xf32, #tpu.memory_space<hbm>>) target(%arg12 : memref<8x512xf32, #tpu.memory_space<vmem>>) target_semaphore(%arg24 : memref<!tpu.dma_semaphore, #tpu.memory_space<semaphore_mem>>)
        %dma_start3A_505 = arith.constant 0 : i32
        %dma_start3A_506 = tpu.memref_slice %arg2[%dma_start3A_505, %multiple_of3A_497, %multiple_of3A_502] : memref<4x8192x1024xf32, #tpu.memory_space<hbm>> -> memref<4x8x512xf32, #tpu.memory_space<hbm>>
        %dma_start3A_507 = arith.constant 0 : i32
        %dma_start3A_508 = tpu.memref_slice %arg2[%dma_start3A_507, %multiple_of3A_497, %multiple_of3A_502] : memref<4x8192x1024xf32, #tpu.memory_space<hbm>> -> memref<4x8x512xf32, #tpu.memory_space<hbm>>
        tpu.enqueue_dma source(%dma_start3A_508 : memref<4x8x512xf32, #tpu.memory_space<hbm>>) target(%arg6 : memref<4x8x512xf32, #tpu.memory_space<vmem>>) target_semaphore(%arg18 : memref<!tpu.dma_semaphore, #tpu.memory_space<semaphore_mem>>)
      } else {
      }
      %mul3A_394 = arith.constant 6 : i32
      %mul3A_395 = arith.muli %scan3A_208, %mul3A_394 : i32
      %add3A_396 = arith.constant 4 : i32
      %add3A_397 = arith.addi %mul3A_395, %add3A_396 : i32
      %dma_wait3A_398 = arith.constant 0 : i32
      %dma_wait3A_399 = arith.constant 0 : i32
      %dma_wait3A_400 = tpu.memref_slice %arg3[%dma_wait3A_398, %dma_wait3A_399] : memref<8192x1024xf32, #tpu.memory_space<hbm>> -> memref<8x512xf32, #tpu.memory_space<hbm>>
      %dma_wait3A_401 = arith.constant 0 : i32
      %dma_wait3A_402 = arith.constant 0 : i32
      %dma_wait3A_403 = tpu.memref_slice %arg3[%dma_wait3A_401, %dma_wait3A_402] : memref<8192x1024xf32, #tpu.memory_space<hbm>> -> memref<8x512xf32, #tpu.memory_space<hbm>>
      tpu.wait_dma2 semaphore(%arg27 : memref<!tpu.dma_semaphore, #tpu.memory_space<semaphore_mem>>) src(%dma_wait3A_403 : memref<8x512xf32, #tpu.memory_space<hbm>>) dst(%arg15 : memref<8x512xf32, #tpu.memory_space<vmem>>)
      %dma_wait3A_404 = arith.constant 0 : i32
      %dma_wait3A_405 = arith.constant 0 : i32
      %dma_wait3A_406 = arith.constant 0 : i32
      %dma_wait3A_407 = tpu.memref_slice %arg2[%dma_wait3A_404, %dma_wait3A_405, %dma_wait3A_406] : memref<4x8192x1024xf32, #tpu.memory_space<hbm>> -> memref<4x8x512xf32, #tpu.memory_space<hbm>>
      %dma_wait3A_408 = arith.constant 0 : i32
      %dma_wait3A_409 = arith.constant 0 : i32
      %dma_wait3A_410 = arith.constant 0 : i32
      %dma_wait3A_411 = tpu.memref_slice %arg2[%dma_wait3A_408, %dma_wait3A_409, %dma_wait3A_410] : memref<4x8192x1024xf32, #tpu.memory_space<hbm>> -> memref<4x8x512xf32, #tpu.memory_space<hbm>>
      tpu.wait_dma2 semaphore(%arg21 : memref<!tpu.dma_semaphore, #tpu.memory_space<semaphore_mem>>) src(%dma_wait3A_411 : memref<4x8x512xf32, #tpu.memory_space<hbm>>) dst(%arg9 : memref<4x8x512xf32, #tpu.memory_space<vmem>>)
      %parallel_loop3A_412 = arith.constant 0 : i32
      %parallel_loop3A_413 = arith.constant 4096 : i32
      %parallel_loop3A_414 = arith.constant 16 : i32
      scf.for %parallel_loop3A_490 = %parallel_loop3A_412 to %parallel_loop3A_413 step %parallel_loop3A_414  : i32 {
        %parallel_loop3A_491 = arith.constant 9 : i32
        %parallel_loop3A_492 = arith.shrsi %parallel_loop3A_490, %parallel_loop3A_491 : i32
        %parallel_loop3A_493 = arith.constant 511 : i32
        %parallel_loop3A_494 = arith.andi %parallel_loop3A_490, %parallel_loop3A_493 : i32
        %parallel_loop3A_495 = tpu.assume_multiple %parallel_loop3A_494, 16 : i32
        %parallel_loop3A_496 = arith.index_cast %parallel_loop3A_492 : i32 to index
        %parallel_loop3A_497 = arith.index_cast %parallel_loop3A_495 : i32 to index
        %parallel_loop3A_498 = tpu.vector_load %arg15[%parallel_loop3A_496, %parallel_loop3A_497] {strides = array<i32>} : memref<8x512xf32, #tpu.memory_space<vmem>>, vector<1x16xf32>,
        %parallel_loop3A_499 = vector.shape_cast %parallel_loop3A_498 : vector<1x16xf32> to vector<16xf32>
        %parallel_loop3A_500 = arith.constant 0 : i32
        %parallel_loop3A_501 = arith.index_cast %parallel_loop3A_500 : i32 to index
        %parallel_loop3A_502 = arith.index_cast %parallel_loop3A_492 : i32 to index
        %parallel_loop3A_503 = arith.index_cast %parallel_loop3A_495 : i32 to index
        %parallel_loop3A_504 = tpu.vector_load %arg9[%parallel_loop3A_501, %parallel_loop3A_502, %parallel_loop3A_503] {strides = array<i32>} : memref<4x8x512xf32, #tpu.memory_space<vmem>>, vector<1x1x16xf32>,
        %parallel_loop3A_505 = vector.shape_cast %parallel_loop3A_504 : vector<1x1x16xf32> to vector<16xf32>
        %parallel_loop3A_506 = vector.shape_cast %parallel_loop3A_499 : vector<16xf32> to vector<1x1x16xf32>
        tpu.vector_store %arg9[%parallel_loop3A_501, %parallel_loop3A_502, %parallel_loop3A_503], %parallel_loop3A_506 {add = true, strides = array<i32>} : memref<4x8x512xf32, #tpu.memory_space<vmem>>, vector<1x1x16xf32>,
        %parallel_loop3A_507 = arith.constant 1 : i32
        %parallel_loop3A_508 = arith.index_cast %parallel_loop3A_507 : i32 to index
        %parallel_loop3A_509 = arith.index_cast %parallel_loop3A_492 : i32 to index
        %parallel_loop3A_510 = arith.index_cast %parallel_loop3A_495 : i32 to index
        %parallel_loop3A_511 = tpu.vector_load %arg9[%parallel_loop3A_508, %parallel_loop3A_509, %parallel_loop3A_510] {strides = array<i32>} : memref<4x8x512xf32, #tpu.memory_space<vmem>>, vector<1x1x16xf32>,
        %parallel_loop3A_512 = vector.shape_cast %parallel_loop3A_511 : vector<1x1x16xf32> to vector<16xf32>
        %parallel_loop3A_513 = vector.shape_cast %parallel_loop3A_499 : vector<16xf32> to vector<1x1x16xf32>
        tpu.vector_store %arg9[%parallel_loop3A_508, %parallel_loop3A_509, %parallel_loop3A_510], %parallel_loop3A_513 {add = true, strides = array<i32>} : memref<4x8x512xf32, #tpu.memory_space<vmem>>, vector<1x1x16xf32>,
        %parallel_loop3A_514 = arith.constant 2 : i32
        %parallel_loop3A_515 = arith.index_cast %parallel_loop3A_514 : i32 to index
        %parallel_loop3A_516 = arith.index_cast %parallel_loop3A_492 : i32 to index
        %parallel_loop3A_517 = arith.index_cast %parallel_loop3A_495 : i32 to index
        %parallel_loop3A_518 = tpu.vector_load %arg9[%parallel_loop3A_515, %parallel_loop3A_516, %parallel_loop3A_517] {strides = array<i32>} : memref<4x8x512xf32, #tpu.memory_space<vmem>>, vector<1x1x16xf32>,
        %parallel_loop3A_519 = vector.shape_cast %parallel_loop3A_518 : vector<1x1x16xf32> to vector<16xf32>
        %parallel_loop3A_520 = vector.shape_cast %parallel_loop3A_499 : vector<16xf32> to vector<1x1x16xf32>
        tpu.vector_store %arg9[%parallel_loop3A_515, %parallel_loop3A_516, %parallel_loop3A_517], %parallel_loop3A_520 {add = true, strides = array<i32>} : memref<4x8x512xf32, #tpu.memory_space<vmem>>, vector<1x1x16xf32>,
        %parallel_loop3A_521 = arith.constant 3 : i32
        %parallel_loop3A_522 = arith.index_cast %parallel_loop3A_521 : i32 to index
        %parallel_loop3A_523 = arith.index_cast %parallel_loop3A_492 : i32 to index
        %parallel_loop3A_524 = arith.index_cast %parallel_loop3A_495 : i32 to index
        %parallel_loop3A_525 = tpu.vector_load %arg9[%parallel_loop3A_522, %parallel_loop3A_523, %parallel_loop3A_524] {strides = array<i32>} : memref<4x8x512xf32, #tpu.memory_space<vmem>>, vector<1x1x16xf32>,
        %parallel_loop3A_526 = vector.shape_cast %parallel_loop3A_525 : vector<1x1x16xf32> to vector<16xf32>
        %parallel_loop3A_527 = vector.shape_cast %parallel_loop3A_499 : vector<16xf32> to vector<1x1x16xf32>
        tpu.vector_store %arg9[%parallel_loop3A_522, %parallel_loop3A_523, %parallel_loop3A_524], %parallel_loop3A_527 {add = true, strides = array<i32>} : memref<4x8x512xf32, #tpu.memory_space<vmem>>, vector<1x1x16xf32>,
      } {sc.loop_unroll_factor = 4 : i64, sc.parallel_access}
      %shift_right_arithmetic3A_415 = arith.constant 1 : i32
      %shift_right_arithmetic3A_416 = arith.shrsi %add3A_397, %shift_right_arithmetic3A_415 : i32
      %mul3A_417 = arith.constant 8 : i32
      %mul3A_418 = arith.muli %shift_right_arithmetic3A_416, %mul3A_417 : i32
      %add3A_419 = arith.addi %mul3A_2, %mul3A_418 : i32
      %multiple_of3A_420 = tpu.assume_multiple %add3A_419, 8 : i32
      %and3A_421 = arith.constant 1 : i32
      %and3A_422 = arith.andi %add3A_397, %and3A_421 : i32
      %shift_left3A_423 = arith.constant 9 : i32
      %shift_left3A_424 = arith.shli %and3A_422, %shift_left3A_423 : i32
      %multiple_of3A_425 = tpu.assume_multiple %shift_left3A_424, 512 : i32
      %dma_start3A_426 = arith.constant 0 : i32
      %dma_start3A_427 = tpu.memref_slice %arg4[%dma_start3A_426, %multiple_of3A_420, %multiple_of3A_425] : memref<4x8192x1024xf32, #tpu.memory_space<hbm>> -> memref<4x8x512xf32, #tpu.memory_space<hbm>>
      %dma_start3A_428 = arith.constant 0 : i32
      %dma_start3A_429 = tpu.memref_slice %arg4[%dma_start3A_428, %multiple_of3A_420, %multiple_of3A_425] : memref<4x8192x1024xf32, #tpu.memory_space<hbm>> -> memref<4x8x512xf32, #tpu.memory_space<hbm>>
      tpu.enqueue_dma source(%arg9 : memref<4x8x512xf32, #tpu.memory_space<vmem>>) target(%dma_start3A_429 : memref<4x8x512xf32, #tpu.memory_space<hbm>>) target_semaphore(%arg33 : memref<!tpu.dma_semaphore, #tpu.memory_space<semaphore_mem>>)
      %ge3A_430 = arith.constant 2 : i32
      %ge3A_431 = arith.cmpi sge, %add3A_397, %ge3A_430 : i32
      %convert_element_type3A_432 = arith.extui %ge3A_431 : i1 to i32
      %cond3A_433 = arith.constant 0 : i32
      %cond3A_434 = arith.cmpi ne, %convert_element_type3A_432, %cond3A_433 : i32
      scf.if %cond3A_434 {
        %dma_wait3A_490 = arith.constant 0 : i32
        %dma_wait3A_491 = arith.constant 0 : i32
        %dma_wait3A_492 = arith.constant 0 : i32
        %dma_wait3A_493 = tpu.memref_slice %arg4[%dma_wait3A_490, %dma_wait3A_491, %dma_wait3A_492] : memref<4x8192x1024xf32, #tpu.memory_space<hbm>> -> memref<4x8x512xf32, #tpu.memory_space<hbm>>
        %dma_wait3A_494 = arith.constant 0 : i32
        %dma_wait3A_495 = arith.constant 0 : i32
        %dma_wait3A_496 = arith.constant 0 : i32
        %dma_wait3A_497 = tpu.memref_slice %arg4[%dma_wait3A_494, %dma_wait3A_495, %dma_wait3A_496] : memref<4x8192x1024xf32, #tpu.memory_space<hbm>> -> memref<4x8x512xf32, #tpu.memory_space<hbm>>
        tpu.wait_dma2 semaphore(%arg31 : memref<!tpu.dma_semaphore, #tpu.memory_space<semaphore_mem>>) src(%arg7 : memref<4x8x512xf32, #tpu.memory_space<vmem>>) dst(%dma_wait3A_497 : memref<4x8x512xf32, #tpu.memory_space<hbm>>)
      } else {
      }
      %add3A_435 = arith.constant 4 : i32
      %add3A_436 = arith.addi %add3A_397, %add3A_435 : i32
      %lt3A_437 = arith.constant 64 : i32
      %lt3A_438 = arith.cmpi slt, %add3A_436, %lt3A_437 : i32
      %convert_element_type3A_439 = arith.extui %lt3A_438 : i1 to i32
      %cond3A_440 = arith.constant 0 : i32
      %cond3A_441 = arith.cmpi ne, %convert_element_type3A_439, %cond3A_440 : i32
      scf.if %cond3A_441 {
        %add3A_490 = arith.constant 4 : i32
        %add3A_491 = arith.addi %add3A_397, %add3A_490 : i32
        %shift_right_arithmetic3A_492 = arith.constant 1 : i32
        %shift_right_arithmetic3A_493 = arith.shrsi %add3A_491, %shift_right_arithmetic3A_492 : i32
        %mul3A_494 = arith.constant 8 : i32
        %mul3A_495 = arith.muli %shift_right_arithmetic3A_493, %mul3A_494 : i32
        %add3A_496 = arith.addi %mul3A_2, %mul3A_495 : i32
        %multiple_of3A_497 = tpu.assume_multiple %add3A_496, 8 : i32
        %and3A_498 = arith.constant 1 : i32
        %and3A_499 = arith.andi %add3A_491, %and3A_498 : i32
        %shift_left3A_500 = arith.constant 9 : i32
        %shift_left3A_501 = arith.shli %and3A_499, %shift_left3A_500 : i32
        %multiple_of3A_502 = tpu.assume_multiple %shift_left3A_501, 512 : i32
        %dma_start3A_503 = tpu.memref_slice %arg3[%multiple_of3A_497, %multiple_of3A_502] : memref<8192x1024xf32, #tpu.memory_space<hbm>> -> memref<8x512xf32, #tpu.memory_space<hbm>>
        %dma_start3A_504 = tpu.memref_slice %arg3[%multiple_of3A_497, %multiple_of3A_502] : memref<8192x1024xf32, #tpu.memory_space<hbm>> -> memref<8x512xf32, #tpu.memory_space<hbm>>
        tpu.enqueue_dma source(%dma_start3A_504 : memref<8x512xf32, #tpu.memory_space<hbm>>) target(%arg13 : memref<8x512xf32, #tpu.memory_space<vmem>>) target_semaphore(%arg25 : memref<!tpu.dma_semaphore, #tpu.memory_space<semaphore_mem>>)
        %dma_start3A_505 = arith.constant 0 : i32
        %dma_start3A_506 = tpu.memref_slice %arg2[%dma_start3A_505, %multiple_of3A_497, %multiple_of3A_502] : memref<4x8192x1024xf32, #tpu.memory_space<hbm>> -> memref<4x8x512xf32, #tpu.memory_space<hbm>>
        %dma_start3A_507 = arith.constant 0 : i32
        %dma_start3A_508 = tpu.memref_slice %arg2[%dma_start3A_507, %multiple_of3A_497, %multiple_of3A_502] : memref<4x8192x1024xf32, #tpu.memory_space<hbm>> -> memref<4x8x512xf32, #tpu.memory_space<hbm>>
        tpu.enqueue_dma source(%dma_start3A_508 : memref<4x8x512xf32, #tpu.memory_space<hbm>>) target(%arg7 : memref<4x8x512xf32, #tpu.memory_space<vmem>>) target_semaphore(%arg19 : memref<!tpu.dma_semaphore, #tpu.memory_space<semaphore_mem>>)
      } else {
      }
      %mul3A_442 = arith.constant 6 : i32
      %mul3A_443 = arith.muli %scan3A_208, %mul3A_442 : i32
      %add3A_444 = arith.constant 5 : i32
      %add3A_445 = arith.addi %mul3A_443, %add3A_444 : i32
      %dma_wait3A_446 = arith.constant 0 : i32
      %dma_wait3A_447 = arith.constant 0 : i32
      %dma_wait3A_448 = tpu.memref_slice %arg3[%dma_wait3A_446, %dma_wait3A_447] : memref<8192x1024xf32, #tpu.memory_space<hbm>> -> memref<8x512xf32, #tpu.memory_space<hbm>>
      %dma_wait3A_449 = arith.constant 0 : i32
      %dma_wait3A_450 = arith.constant 0 : i32
      %dma_wait3A_451 = tpu.memref_slice %arg3[%dma_wait3A_449, %dma_wait3A_450] : memref<8192x1024xf32, #tpu.memory_space<hbm>> -> memref<8x512xf32, #tpu.memory_space<hbm>>
      tpu.wait_dma2 semaphore(%arg28 : memref<!tpu.dma_semaphore, #tpu.memory_space<semaphore_mem>>) src(%dma_wait3A_451 : memref<8x512xf32, #tpu.memory_space<hbm>>) dst(%arg16 : memref<8x512xf32, #tpu.memory_space<vmem>>)
      %dma_wait3A_452 = arith.constant 0 : i32
      %dma_wait3A_453 = arith.constant 0 : i32
      %dma_wait3A_454 = arith.constant 0 : i32
      %dma_wait3A_455 = tpu.memref_slice %arg2[%dma_wait3A_452, %dma_wait3A_453, %dma_wait3A_454] : memref<4x8192x1024xf32, #tpu.memory_space<hbm>> -> memref<4x8x512xf32, #tpu.memory_space<hbm>>
      %dma_wait3A_456 = arith.constant 0 : i32
      %dma_wait3A_457 = arith.constant 0 : i32
      %dma_wait3A_458 = arith.constant 0 : i32
      %dma_wait3A_459 = tpu.memref_slice %arg2[%dma_wait3A_456, %dma_wait3A_457, %dma_wait3A_458] : memref<4x8192x1024xf32, #tpu.memory_space<hbm>> -> memref<4x8x512xf32, #tpu.memory_space<hbm>>
      tpu.wait_dma2 semaphore(%arg22 : memref<!tpu.dma_semaphore, #tpu.memory_space<semaphore_mem>>) src(%dma_wait3A_459 : memref<4x8x512xf32, #tpu.memory_space<hbm>>) dst(%arg10 : memref<4x8x512xf32, #tpu.memory_space<vmem>>)
      %parallel_loop3A_460 = arith.constant 0 : i32
      %parallel_loop3A_461 = arith.constant 4096 : i32
      %parallel_loop3A_462 = arith.constant 16 : i32
      scf.for %parallel_loop3A_490 = %parallel_loop3A_460 to %parallel_loop3A_461 step %parallel_loop3A_462  : i32 {
        %parallel_loop3A_491 = arith.constant 9 : i32
        %parallel_loop3A_492 = arith.shrsi %parallel_loop3A_490, %parallel_loop3A_491 : i32
        %parallel_loop3A_493 = arith.constant 511 : i32
        %parallel_loop3A_494 = arith.andi %parallel_loop3A_490, %parallel_loop3A_493 : i32
        %parallel_loop3A_495 = tpu.assume_multiple %parallel_loop3A_494, 16 : i32
        %parallel_loop3A_496 = arith.index_cast %parallel_loop3A_492 : i32 to index
        %parallel_loop3A_497 = arith.index_cast %parallel_loop3A_495 : i32 to index
        %parallel_loop3A_498 = tpu.vector_load %arg16[%parallel_loop3A_496, %parallel_loop3A_497] {strides = array<i32>} : memref<8x512xf32, #tpu.memory_space<vmem>>, vector<1x16xf32>,
        %parallel_loop3A_499 = vector.shape_cast %parallel_loop3A_498 : vector<1x16xf32> to vector<16xf32>
        %parallel_loop3A_500 = arith.constant 0 : i32
        %parallel_loop3A_501 = arith.index_cast %parallel_loop3A_500 : i32 to index
        %parallel_loop3A_502 = arith.index_cast %parallel_loop3A_492 : i32 to index
        %parallel_loop3A_503 = arith.index_cast %parallel_loop3A_495 : i32 to index
        %parallel_loop3A_504 = tpu.vector_load %arg10[%parallel_loop3A_501, %parallel_loop3A_502, %parallel_loop3A_503] {strides = array<i32>} : memref<4x8x512xf32, #tpu.memory_space<vmem>>, vector<1x1x16xf32>,
        %parallel_loop3A_505 = vector.shape_cast %parallel_loop3A_504 : vector<1x1x16xf32> to vector<16xf32>
        %parallel_loop3A_506 = vector.shape_cast %parallel_loop3A_499 : vector<16xf32> to vector<1x1x16xf32>
        tpu.vector_store %arg10[%parallel_loop3A_501, %parallel_loop3A_502, %parallel_loop3A_503], %parallel_loop3A_506 {add = true, strides = array<i32>} : memref<4x8x512xf32, #tpu.memory_space<vmem>>, vector<1x1x16xf32>,
        %parallel_loop3A_507 = arith.constant 1 : i32
        %parallel_loop3A_508 = arith.index_cast %parallel_loop3A_507 : i32 to index
        %parallel_loop3A_509 = arith.index_cast %parallel_loop3A_492 : i32 to index
        %parallel_loop3A_510 = arith.index_cast %parallel_loop3A_495 : i32 to index
        %parallel_loop3A_511 = tpu.vector_load %arg10[%parallel_loop3A_508, %parallel_loop3A_509, %parallel_loop3A_510] {strides = array<i32>} : memref<4x8x512xf32, #tpu.memory_space<vmem>>, vector<1x1x16xf32>,
        %parallel_loop3A_512 = vector.shape_cast %parallel_loop3A_511 : vector<1x1x16xf32> to vector<16xf32>
        %parallel_loop3A_513 = vector.shape_cast %parallel_loop3A_499 : vector<16xf32> to vector<1x1x16xf32>
        tpu.vector_store %arg10[%parallel_loop3A_508, %parallel_loop3A_509, %parallel_loop3A_510], %parallel_loop3A_513 {add = true, strides = array<i32>} : memref<4x8x512xf32, #tpu.memory_space<vmem>>, vector<1x1x16xf32>,
        %parallel_loop3A_514 = arith.constant 2 : i32
        %parallel_loop3A_515 = arith.index_cast %parallel_loop3A_514 : i32 to index
        %parallel_loop3A_516 = arith.index_cast %parallel_loop3A_492 : i32 to index
        %parallel_loop3A_517 = arith.index_cast %parallel_loop3A_495 : i32 to index
        %parallel_loop3A_518 = tpu.vector_load %arg10[%parallel_loop3A_515, %parallel_loop3A_516, %parallel_loop3A_517] {strides = array<i32>} : memref<4x8x512xf32, #tpu.memory_space<vmem>>, vector<1x1x16xf32>,
        %parallel_loop3A_519 = vector.shape_cast %parallel_loop3A_518 : vector<1x1x16xf32> to vector<16xf32>
        %parallel_loop3A_520 = vector.shape_cast %parallel_loop3A_499 : vector<16xf32> to vector<1x1x16xf32>
        tpu.vector_store %arg10[%parallel_loop3A_515, %parallel_loop3A_516, %parallel_loop3A_517], %parallel_loop3A_520 {add = true, strides = array<i32>} : memref<4x8x512xf32, #tpu.memory_space<vmem>>, vector<1x1x16xf32>,
        %parallel_loop3A_521 = arith.constant 3 : i32
        %parallel_loop3A_522 = arith.index_cast %parallel_loop3A_521 : i32 to index
        %parallel_loop3A_523 = arith.index_cast %parallel_loop3A_492 : i32 to index
        %parallel_loop3A_524 = arith.index_cast %parallel_loop3A_495 : i32 to index
        %parallel_loop3A_525 = tpu.vector_load %arg10[%parallel_loop3A_522, %parallel_loop3A_523, %parallel_loop3A_524] {strides = array<i32>} : memref<4x8x512xf32, #tpu.memory_space<vmem>>, vector<1x1x16xf32>,
        %parallel_loop3A_526 = vector.shape_cast %parallel_loop3A_525 : vector<1x1x16xf32> to vector<16xf32>
        %parallel_loop3A_527 = vector.shape_cast %parallel_loop3A_499 : vector<16xf32> to vector<1x1x16xf32>
        tpu.vector_store %arg10[%parallel_loop3A_522, %parallel_loop3A_523, %parallel_loop3A_524], %parallel_loop3A_527 {add = true, strides = array<i32>} : memref<4x8x512xf32, #tpu.memory_space<vmem>>, vector<1x1x16xf32>,
      } {sc.loop_unroll_factor = 4 : i64, sc.parallel_access}
      %shift_right_arithmetic3A_463 = arith.constant 1 : i32
      %shift_right_arithmetic3A_464 = arith.shrsi %add3A_445, %shift_right_arithmetic3A_463 : i32
      %mul3A_465 = arith.constant 8 : i32
      %mul3A_466 = arith.muli %shift_right_arithmetic3A_464, %mul3A_465 : i32
      %add3A_467 = arith.addi %mul3A_2, %mul3A_466 : i32
      %multiple_of3A_468 = tpu.assume_multiple %add3A_467, 8 : i32
      %and3A_469 = arith.constant 1 : i32
      %and3A_470 = arith.andi %add3A_445, %and3A_469 : i32
      %shift_left3A_471 = arith.constant 9 : i32
      %shift_left3A_472 = arith.shli %and3A_470, %shift_left3A_471 : i32
      %multiple_of3A_473 = tpu.assume_multiple %shift_left3A_472, 512 : i32
      %dma_start3A_474 = arith.constant 0 : i32
      %dma_start3A_475 = tpu.memref_slice %arg4[%dma_start3A_474, %multiple_of3A_468, %multiple_of3A_473] : memref<4x8192x1024xf32, #tpu.memory_space<hbm>> -> memref<4x8x512xf32, #tpu.memory_space<hbm>>
      %dma_start3A_476 = arith.constant 0 : i32
      %dma_start3A_477 = tpu.memref_slice %arg4[%dma_start3A_476, %multiple_of3A_468, %multiple_of3A_473] : memref<4x8192x1024xf32, #tpu.memory_space<hbm>> -> memref<4x8x512xf32, #tpu.memory_space<hbm>>
      tpu.enqueue_dma source(%arg10 : memref<4x8x512xf32, #tpu.memory_space<vmem>>) target(%dma_start3A_477 : memref<4x8x512xf32, #tpu.memory_space<hbm>>) target_semaphore(%arg34 : memref<!tpu.dma_semaphore, #tpu.memory_space<semaphore_mem>>)
      %ge3A_478 = arith.constant 2 : i32
      %ge3A_479 = arith.cmpi sge, %add3A_445, %ge3A_478 : i32
      %convert_element_type3A_480 = arith.extui %ge3A_479 : i1 to i32
      %cond3A_481 = arith.constant 0 : i32
      %cond3A_482 = arith.cmpi ne, %convert_element_type3A_480, %cond3A_481 : i32
      scf.if %cond3A_482 {
        %dma_wait3A_490 = arith.constant 0 : i32
        %dma_wait3A_491 = arith.constant 0 : i32
        %dma_wait3A_492 = arith.constant 0 : i32
        %dma_wait3A_493 = tpu.memref_slice %arg4[%dma_wait3A_490, %dma_wait3A_491, %dma_wait3A_492] : memref<4x8192x1024xf32, #tpu.memory_space<hbm>> -> memref<4x8x512xf32, #tpu.memory_space<hbm>>
        %dma_wait3A_494 = arith.constant 0 : i32
        %dma_wait3A_495 = arith.constant 0 : i32
        %dma_wait3A_496 = arith.constant 0 : i32
        %dma_wait3A_497 = tpu.memref_slice %arg4[%dma_wait3A_494, %dma_wait3A_495, %dma_wait3A_496] : memref<4x8192x1024xf32, #tpu.memory_space<hbm>> -> memref<4x8x512xf32, #tpu.memory_space<hbm>>
        tpu.wait_dma2 semaphore(%arg32 : memref<!tpu.dma_semaphore, #tpu.memory_space<semaphore_mem>>) src(%arg8 : memref<4x8x512xf32, #tpu.memory_space<vmem>>) dst(%dma_wait3A_497 : memref<4x8x512xf32, #tpu.memory_space<hbm>>)
      } else {
      }
      %add3A_483 = arith.constant 4 : i32
      %add3A_484 = arith.addi %add3A_445, %add3A_483 : i32
      %lt3A_485 = arith.constant 64 : i32
      %lt3A_486 = arith.cmpi slt, %add3A_484, %lt3A_485 : i32
      %convert_element_type3A_487 = arith.extui %lt3A_486 : i1 to i32
      %cond3A_488 = arith.constant 0 : i32
      %cond3A_489 = arith.cmpi ne, %convert_element_type3A_487, %cond3A_488 : i32
      scf.if %cond3A_489 {
        %add3A_490 = arith.constant 4 : i32
        %add3A_491 = arith.addi %add3A_445, %add3A_490 : i32
        %shift_right_arithmetic3A_492 = arith.constant 1 : i32
        %shift_right_arithmetic3A_493 = arith.shrsi %add3A_491, %shift_right_arithmetic3A_492 : i32
        %mul3A_494 = arith.constant 8 : i32
        %mul3A_495 = arith.muli %shift_right_arithmetic3A_493, %mul3A_494 : i32
        %add3A_496 = arith.addi %mul3A_2, %mul3A_495 : i32
        %multiple_of3A_497 = tpu.assume_multiple %add3A_496, 8 : i32
        %and3A_498 = arith.constant 1 : i32
        %and3A_499 = arith.andi %add3A_491, %and3A_498 : i32
        %shift_left3A_500 = arith.constant 9 : i32
        %shift_left3A_501 = arith.shli %and3A_499, %shift_left3A_500 : i32
        %multiple_of3A_502 = tpu.assume_multiple %shift_left3A_501, 512 : i32
        %dma_start3A_503 = tpu.memref_slice %arg3[%multiple_of3A_497, %multiple_of3A_502] : memref<8192x1024xf32, #tpu.memory_space<hbm>> -> memref<8x512xf32, #tpu.memory_space<hbm>>
        %dma_start3A_504 = tpu.memref_slice %arg3[%multiple_of3A_497, %multiple_of3A_502] : memref<8192x1024xf32, #tpu.memory_space<hbm>> -> memref<8x512xf32, #tpu.memory_space<hbm>>
        tpu.enqueue_dma source(%dma_start3A_504 : memref<8x512xf32, #tpu.memory_space<hbm>>) target(%arg14 : memref<8x512xf32, #tpu.memory_space<vmem>>) target_semaphore(%arg26 : memref<!tpu.dma_semaphore, #tpu.memory_space<semaphore_mem>>)
        %dma_start3A_505 = arith.constant 0 : i32
        %dma_start3A_506 = tpu.memref_slice %arg2[%dma_start3A_505, %multiple_of3A_497, %multiple_of3A_502] : memref<4x8192x1024xf32, #tpu.memory_space<hbm>> -> memref<4x8x512xf32, #tpu.memory_space<hbm>>
        %dma_start3A_507 = arith.constant 0 : i32
        %dma_start3A_508 = tpu.memref_slice %arg2[%dma_start3A_507, %multiple_of3A_497, %multiple_of3A_502] : memref<4x8192x1024xf32, #tpu.memory_space<hbm>> -> memref<4x8x512xf32, #tpu.memory_space<hbm>>
        tpu.enqueue_dma source(%dma_start3A_508 : memref<4x8x512xf32, #tpu.memory_space<hbm>>) target(%arg8 : memref<4x8x512xf32, #tpu.memory_space<vmem>>) target_semaphore(%arg20 : memref<!tpu.dma_semaphore, #tpu.memory_space<semaphore_mem>>)
      } else {
      }
    }
    %scan3A_57 = arith.constant 10 : i32
    %dma_wait3A = arith.constant 0 : i32
    %dma_wait3A_58 = arith.constant 0 : i32
    %dma_wait3A_59 = tpu.memref_slice %arg3[%dma_wait3A, %dma_wait3A_58] : memref<8192x1024xf32, #tpu.memory_space<hbm>> -> memref<8x512xf32, #tpu.memory_space<hbm>>
    %dma_wait3A_60 = arith.constant 0 : i32
    %dma_wait3A_61 = arith.constant 0 : i32
    %dma_wait3A_62 = tpu.memref_slice %arg3[%dma_wait3A_60, %dma_wait3A_61] : memref<8192x1024xf32, #tpu.memory_space<hbm>> -> memref<8x512xf32, #tpu.memory_space<hbm>>
    tpu.wait_dma2 semaphore(%arg23 : memref<!tpu.dma_semaphore, #tpu.memory_space<semaphore_mem>>) src(%dma_wait3A_62 : memref<8x512xf32, #tpu.memory_space<hbm>>) dst(%arg11 : memref<8x512xf32, #tpu.memory_space<vmem>>)
    %dma_wait3A_63 = arith.constant 0 : i32
    %dma_wait3A_64 = arith.constant 0 : i32
    %dma_wait3A_65 = arith.constant 0 : i32
    %dma_wait3A_66 = tpu.memref_slice %arg2[%dma_wait3A_63, %dma_wait3A_64, %dma_wait3A_65] : memref<4x8192x1024xf32, #tpu.memory_space<hbm>> -> memref<4x8x512xf32, #tpu.memory_space<hbm>>
    %dma_wait3A_67 = arith.constant 0 : i32
    %dma_wait3A_68 = arith.constant 0 : i32
    %dma_wait3A_69 = arith.constant 0 : i32
    %dma_wait3A_70 = tpu.memref_slice %arg2[%dma_wait3A_67, %dma_wait3A_68, %dma_wait3A_69] : memref<4x8192x1024xf32, #tpu.memory_space<hbm>> -> memref<4x8x512xf32, #tpu.memory_space<hbm>>
    tpu.wait_dma2 semaphore(%arg17 : memref<!tpu.dma_semaphore, #tpu.memory_space<semaphore_mem>>) src(%dma_wait3A_70 : memref<4x8x512xf32, #tpu.memory_space<hbm>>) dst(%arg5 : memref<4x8x512xf32, #tpu.memory_space<vmem>>)
    %parallel_loop3A = arith.constant 0 : i32
    %parallel_loop3A_71 = arith.constant 4096 : i32
    %parallel_loop3A_72 = arith.constant 16 : i32
    scf.for %parallel_loop3A_208 = %parallel_loop3A to %parallel_loop3A_71 step %parallel_loop3A_72  : i32 {
      %parallel_loop3A_209 = arith.constant 9 : i32
      %parallel_loop3A_210 = arith.shrsi %parallel_loop3A_208, %parallel_loop3A_209 : i32
      %parallel_loop3A_211 = arith.constant 511 : i32
      %parallel_loop3A_212 = arith.andi %parallel_loop3A_208, %parallel_loop3A_211 : i32
      %parallel_loop3A_213 = tpu.assume_multiple %parallel_loop3A_212, 16 : i32
      %parallel_loop3A_214 = arith.index_cast %parallel_loop3A_210 : i32 to index
      %parallel_loop3A_215 = arith.index_cast %parallel_loop3A_213 : i32 to index
      %parallel_loop3A_216 = tpu.vector_load %arg11[%parallel_loop3A_214, %parallel_loop3A_215] {strides = array<i32>} : memref<8x512xf32, #tpu.memory_space<vmem>>, vector<1x16xf32>,
      %parallel_loop3A_217 = vector.shape_cast %parallel_loop3A_216 : vector<1x16xf32> to vector<16xf32>
      %parallel_loop3A_218 = arith.constant 0 : i32
      %parallel_loop3A_219 = arith.index_cast %parallel_loop3A_218 : i32 to index
      %parallel_loop3A_220 = arith.index_cast %parallel_loop3A_210 : i32 to index
      %parallel_loop3A_221 = arith.index_cast %parallel_loop3A_213 : i32 to index
      %parallel_loop3A_222 = tpu.vector_load %arg5[%parallel_loop3A_219, %parallel_loop3A_220, %parallel_loop3A_221] {strides = array<i32>} : memref<4x8x512xf32, #tpu.memory_space<vmem>>, vector<1x1x16xf32>,
      %parallel_loop3A_223 = vector.shape_cast %parallel_loop3A_222 : vector<1x1x16xf32> to vector<16xf32>
      %parallel_loop3A_224 = vector.shape_cast %parallel_loop3A_217 : vector<16xf32> to vector<1x1x16xf32>
      tpu.vector_store %arg5[%parallel_loop3A_219, %parallel_loop3A_220, %parallel_loop3A_221], %parallel_loop3A_224 {add = true, strides = array<i32>} : memref<4x8x512xf32, #tpu.memory_space<vmem>>, vector<1x1x16xf32>,
      %parallel_loop3A_225 = arith.constant 1 : i32
      %parallel_loop3A_226 = arith.index_cast %parallel_loop3A_225 : i32 to index
      %parallel_loop3A_227 = arith.index_cast %parallel_loop3A_210 : i32 to index
      %parallel_loop3A_228 = arith.index_cast %parallel_loop3A_213 : i32 to index
      %parallel_loop3A_229 = tpu.vector_load %arg5[%parallel_loop3A_226, %parallel_loop3A_227, %parallel_loop3A_228] {strides = array<i32>} : memref<4x8x512xf32, #tpu.memory_space<vmem>>, vector<1x1x16xf32>,
      %parallel_loop3A_230 = vector.shape_cast %parallel_loop3A_229 : vector<1x1x16xf32> to vector<16xf32>
      %parallel_loop3A_231 = vector.shape_cast %parallel_loop3A_217 : vector<16xf32> to vector<1x1x16xf32>
      tpu.vector_store %arg5[%parallel_loop3A_226, %parallel_loop3A_227, %parallel_loop3A_228], %parallel_loop3A_231 {add = true, strides = array<i32>} : memref<4x8x512xf32, #tpu.memory_space<vmem>>, vector<1x1x16xf32>,
      %parallel_loop3A_232 = arith.constant 2 : i32
      %parallel_loop3A_233 = arith.index_cast %parallel_loop3A_232 : i32 to index
      %parallel_loop3A_234 = arith.index_cast %parallel_loop3A_210 : i32 to index
      %parallel_loop3A_235 = arith.index_cast %parallel_loop3A_213 : i32 to index
      %parallel_loop3A_236 = tpu.vector_load %arg5[%parallel_loop3A_233, %parallel_loop3A_234, %parallel_loop3A_235] {strides = array<i32>} : memref<4x8x512xf32, #tpu.memory_space<vmem>>, vector<1x1x16xf32>,
      %parallel_loop3A_237 = vector.shape_cast %parallel_loop3A_236 : vector<1x1x16xf32> to vector<16xf32>
      %parallel_loop3A_238 = vector.shape_cast %parallel_loop3A_217 : vector<16xf32> to vector<1x1x16xf32>
      tpu.vector_store %arg5[%parallel_loop3A_233, %parallel_loop3A_234, %parallel_loop3A_235], %parallel_loop3A_238 {add = true, strides = array<i32>} : memref<4x8x512xf32, #tpu.memory_space<vmem>>, vector<1x1x16xf32>,
      %parallel_loop3A_239 = arith.constant 3 : i32
      %parallel_loop3A_240 = arith.index_cast %parallel_loop3A_239 : i32 to index
      %parallel_loop3A_241 = arith.index_cast %parallel_loop3A_210 : i32 to index
      %parallel_loop3A_242 = arith.index_cast %parallel_loop3A_213 : i32 to index
      %parallel_loop3A_243 = tpu.vector_load %arg5[%parallel_loop3A_240, %parallel_loop3A_241, %parallel_loop3A_242] {strides = array<i32>} : memref<4x8x512xf32, #tpu.memory_space<vmem>>, vector<1x1x16xf32>,
      %parallel_loop3A_244 = vector.shape_cast %parallel_loop3A_243 : vector<1x1x16xf32> to vector<16xf32>
      %parallel_loop3A_245 = vector.shape_cast %parallel_loop3A_217 : vector<16xf32> to vector<1x1x16xf32>
      tpu.vector_store %arg5[%parallel_loop3A_240, %parallel_loop3A_241, %parallel_loop3A_242], %parallel_loop3A_245 {add = true, strides = array<i32>} : memref<4x8x512xf32, #tpu.memory_space<vmem>>, vector<1x1x16xf32>,
    } {sc.loop_unroll_factor = 4 : i64, sc.parallel_access}
    %add3A_73 = arith.constant 240 : i32
    %add3A_74 = arith.addi %mul3A_2, %add3A_73 : i32
    %multiple_of3A_75 = tpu.assume_multiple %add3A_74, 8 : i32
    %dma_start3A_76 = arith.constant 0 : i32
    %dma_start3A_77 = arith.constant 0 : i32
    %dma_start3A_78 = tpu.memref_slice %arg4[%dma_start3A_76, %multiple_of3A_75, %dma_start3A_77] : memref<4x8192x1024xf32, #tpu.memory_space<hbm>> -> memref<4x8x512xf32, #tpu.memory_space<hbm>>
    %dma_start3A_79 = arith.constant 0 : i32
    %dma_start3A_80 = arith.constant 0 : i32
    %dma_start3A_81 = tpu.memref_slice %arg4[%dma_start3A_79, %multiple_of3A_75, %dma_start3A_80] : memref<4x8192x1024xf32, #tpu.memory_space<hbm>> -> memref<4x8x512xf32, #tpu.memory_space<hbm>>
    tpu.enqueue_dma source(%arg5 : memref<4x8x512xf32, #tpu.memory_space<vmem>>) target(%dma_start3A_81 : memref<4x8x512xf32, #tpu.memory_space<hbm>>) target_semaphore(%arg29 : memref<!tpu.dma_semaphore, #tpu.memory_space<semaphore_mem>>)
    %dma_wait3A_82 = arith.constant 0 : i32
    %dma_wait3A_83 = arith.constant 0 : i32
    %dma_wait3A_84 = arith.constant 0 : i32
    %dma_wait3A_85 = tpu.memref_slice %arg4[%dma_wait3A_82, %dma_wait3A_83, %dma_wait3A_84] : memref<4x8192x1024xf32, #tpu.memory_space<hbm>> -> memref<4x8x512xf32, #tpu.memory_space<hbm>>
    %dma_wait3A_86 = arith.constant 0 : i32
    %dma_wait3A_87 = arith.constant 0 : i32
    %dma_wait3A_88 = arith.constant 0 : i32
    %dma_wait3A_89 = tpu.memref_slice %arg4[%dma_wait3A_86, %dma_wait3A_87, %dma_wait3A_88] : memref<4x8192x1024xf32, #tpu.memory_space<hbm>> -> memref<4x8x512xf32, #tpu.memory_space<hbm>>
    tpu.wait_dma2 semaphore(%arg33 : memref<!tpu.dma_semaphore, #tpu.memory_space<semaphore_mem>>) src(%arg9 : memref<4x8x512xf32, #tpu.memory_space<vmem>>) dst(%dma_wait3A_89 : memref<4x8x512xf32, #tpu.memory_space<hbm>>)
    %dma_wait3A_90 = arith.constant 0 : i32
    %dma_wait3A_91 = arith.constant 0 : i32
    %dma_wait3A_92 = tpu.memref_slice %arg3[%dma_wait3A_90, %dma_wait3A_91] : memref<8192x1024xf32, #tpu.memory_space<hbm>> -> memref<8x512xf32, #tpu.memory_space<hbm>>
    %dma_wait3A_93 = arith.constant 0 : i32
    %dma_wait3A_94 = arith.constant 0 : i32
    %dma_wait3A_95 = tpu.memref_slice %arg3[%dma_wait3A_93, %dma_wait3A_94] : memref<8192x1024xf32, #tpu.memory_space<hbm>> -> memref<8x512xf32, #tpu.memory_space<hbm>>
    tpu.wait_dma2 semaphore(%arg24 : memref<!tpu.dma_semaphore, #tpu.memory_space<semaphore_mem>>) src(%dma_wait3A_95 : memref<8x512xf32, #tpu.memory_space<hbm>>) dst(%arg12 : memref<8x512xf32, #tpu.memory_space<vmem>>)
    %dma_wait3A_96 = arith.constant 0 : i32
    %dma_wait3A_97 = arith.constant 0 : i32
    %dma_wait3A_98 = arith.constant 0 : i32
    %dma_wait3A_99 = tpu.memref_slice %arg2[%dma_wait3A_96, %dma_wait3A_97, %dma_wait3A_98] : memref<4x8192x1024xf32, #tpu.memory_space<hbm>> -> memref<4x8x512xf32, #tpu.memory_space<hbm>>
    %dma_wait3A_100 = arith.constant 0 : i32
    %dma_wait3A_101 = arith.constant 0 : i32
    %dma_wait3A_102 = arith.constant 0 : i32
    %dma_wait3A_103 = tpu.memref_slice %arg2[%dma_wait3A_100, %dma_wait3A_101, %dma_wait3A_102] : memref<4x8192x1024xf32, #tpu.memory_space<hbm>> -> memref<4x8x512xf32, #tpu.memory_space<hbm>>
    tpu.wait_dma2 semaphore(%arg18 : memref<!tpu.dma_semaphore, #tpu.memory_space<semaphore_mem>>) src(%dma_wait3A_103 : memref<4x8x512xf32, #tpu.memory_space<hbm>>) dst(%arg6 : memref<4x8x512xf32, #tpu.memory_space<vmem>>)
    %parallel_loop3A_104 = arith.constant 0 : i32
    %parallel_loop3A_105 = arith.constant 4096 : i32
    %parallel_loop3A_106 = arith.constant 16 : i32
    scf.for %parallel_loop3A_208 = %parallel_loop3A_104 to %parallel_loop3A_105 step %parallel_loop3A_106  : i32 {
      %parallel_loop3A_209 = arith.constant 9 : i32
      %parallel_loop3A_210 = arith.shrsi %parallel_loop3A_208, %parallel_loop3A_209 : i32
      %parallel_loop3A_211 = arith.constant 511 : i32
      %parallel_loop3A_212 = arith.andi %parallel_loop3A_208, %parallel_loop3A_211 : i32
      %parallel_loop3A_213 = tpu.assume_multiple %parallel_loop3A_212, 16 : i32
      %parallel_loop3A_214 = arith.index_cast %parallel_loop3A_210 : i32 to index
      %parallel_loop3A_215 = arith.index_cast %parallel_loop3A_213 : i32 to index
      %parallel_loop3A_216 = tpu.vector_load %arg12[%parallel_loop3A_214, %parallel_loop3A_215] {strides = array<i32>} : memref<8x512xf32, #tpu.memory_space<vmem>>, vector<1x16xf32>,
      %parallel_loop3A_217 = vector.shape_cast %parallel_loop3A_216 : vector<1x16xf32> to vector<16xf32>
      %parallel_loop3A_218 = arith.constant 0 : i32
      %parallel_loop3A_219 = arith.index_cast %parallel_loop3A_218 : i32 to index
      %parallel_loop3A_220 = arith.index_cast %parallel_loop3A_210 : i32 to index
      %parallel_loop3A_221 = arith.index_cast %parallel_loop3A_213 : i32 to index
      %parallel_loop3A_222 = tpu.vector_load %arg6[%parallel_loop3A_219, %parallel_loop3A_220, %parallel_loop3A_221] {strides = array<i32>} : memref<4x8x512xf32, #tpu.memory_space<vmem>>, vector<1x1x16xf32>,
      %parallel_loop3A_223 = vector.shape_cast %parallel_loop3A_222 : vector<1x1x16xf32> to vector<16xf32>
      %parallel_loop3A_224 = vector.shape_cast %parallel_loop3A_217 : vector<16xf32> to vector<1x1x16xf32>
      tpu.vector_store %arg6[%parallel_loop3A_219, %parallel_loop3A_220, %parallel_loop3A_221], %parallel_loop3A_224 {add = true, strides = array<i32>} : memref<4x8x512xf32, #tpu.memory_space<vmem>>, vector<1x1x16xf32>,
      %parallel_loop3A_225 = arith.constant 1 : i32
      %parallel_loop3A_226 = arith.index_cast %parallel_loop3A_225 : i32 to index
      %parallel_loop3A_227 = arith.index_cast %parallel_loop3A_210 : i32 to index
      %parallel_loop3A_228 = arith.index_cast %parallel_loop3A_213 : i32 to index
      %parallel_loop3A_229 = tpu.vector_load %arg6[%parallel_loop3A_226, %parallel_loop3A_227, %parallel_loop3A_228] {strides = array<i32>} : memref<4x8x512xf32, #tpu.memory_space<vmem>>, vector<1x1x16xf32>,
      %parallel_loop3A_230 = vector.shape_cast %parallel_loop3A_229 : vector<1x1x16xf32> to vector<16xf32>
      %parallel_loop3A_231 = vector.shape_cast %parallel_loop3A_217 : vector<16xf32> to vector<1x1x16xf32>
      tpu.vector_store %arg6[%parallel_loop3A_226, %parallel_loop3A_227, %parallel_loop3A_228], %parallel_loop3A_231 {add = true, strides = array<i32>} : memref<4x8x512xf32, #tpu.memory_space<vmem>>, vector<1x1x16xf32>,
      %parallel_loop3A_232 = arith.constant 2 : i32
      %parallel_loop3A_233 = arith.index_cast %parallel_loop3A_232 : i32 to index
      %parallel_loop3A_234 = arith.index_cast %parallel_loop3A_210 : i32 to index
      %parallel_loop3A_235 = arith.index_cast %parallel_loop3A_213 : i32 to index
      %parallel_loop3A_236 = tpu.vector_load %arg6[%parallel_loop3A_233, %parallel_loop3A_234, %parallel_loop3A_235] {strides = array<i32>} : memref<4x8x512xf32, #tpu.memory_space<vmem>>, vector<1x1x16xf32>,
      %parallel_loop3A_237 = vector.shape_cast %parallel_loop3A_236 : vector<1x1x16xf32> to vector<16xf32>
      %parallel_loop3A_238 = vector.shape_cast %parallel_loop3A_217 : vector<16xf32> to vector<1x1x16xf32>
      tpu.vector_store %arg6[%parallel_loop3A_233, %parallel_loop3A_234, %parallel_loop3A_235], %parallel_loop3A_238 {add = true, strides = array<i32>} : memref<4x8x512xf32, #tpu.memory_space<vmem>>, vector<1x1x16xf32>,
      %parallel_loop3A_239 = arith.constant 3 : i32
      %parallel_loop3A_240 = arith.index_cast %parallel_loop3A_239 : i32 to index
      %parallel_loop3A_241 = arith.index_cast %parallel_loop3A_210 : i32 to index
      %parallel_loop3A_242 = arith.index_cast %parallel_loop3A_213 : i32 to index
      %parallel_loop3A_243 = tpu.vector_load %arg6[%parallel_loop3A_240, %parallel_loop3A_241, %parallel_loop3A_242] {strides = array<i32>} : memref<4x8x512xf32, #tpu.memory_space<vmem>>, vector<1x1x16xf32>,
      %parallel_loop3A_244 = vector.shape_cast %parallel_loop3A_243 : vector<1x1x16xf32> to vector<16xf32>
      %parallel_loop3A_245 = vector.shape_cast %parallel_loop3A_217 : vector<16xf32> to vector<1x1x16xf32>
      tpu.vector_store %arg6[%parallel_loop3A_240, %parallel_loop3A_241, %parallel_loop3A_242], %parallel_loop3A_245 {add = true, strides = array<i32>} : memref<4x8x512xf32, #tpu.memory_space<vmem>>, vector<1x1x16xf32>,
    } {sc.loop_unroll_factor = 4 : i64, sc.parallel_access}
    %add3A_107 = arith.constant 240 : i32
    %add3A_108 = arith.addi %mul3A_2, %add3A_107 : i32
    %multiple_of3A_109 = tpu.assume_multiple %add3A_108, 8 : i32
    %dma_start3A_110 = arith.constant 0 : i32
    %dma_start3A_111 = arith.constant 512 : i32
    %dma_start3A_112 = tpu.memref_slice %arg4[%dma_start3A_110, %multiple_of3A_109, %dma_start3A_111] : memref<4x8192x1024xf32, #tpu.memory_space<hbm>> -> memref<4x8x512xf32, #tpu.memory_space<hbm>>
    %dma_start3A_113 = arith.constant 0 : i32
    %dma_start3A_114 = arith.constant 512 : i32
    %dma_start3A_115 = tpu.memref_slice %arg4[%dma_start3A_113, %multiple_of3A_109, %dma_start3A_114] : memref<4x8192x1024xf32, #tpu.memory_space<hbm>> -> memref<4x8x512xf32, #tpu.memory_space<hbm>>
    tpu.enqueue_dma source(%arg6 : memref<4x8x512xf32, #tpu.memory_space<vmem>>) target(%dma_start3A_115 : memref<4x8x512xf32, #tpu.memory_space<hbm>>) target_semaphore(%arg30 : memref<!tpu.dma_semaphore, #tpu.memory_space<semaphore_mem>>)
    %dma_wait3A_116 = arith.constant 0 : i32
    %dma_wait3A_117 = arith.constant 0 : i32
    %dma_wait3A_118 = arith.constant 0 : i32
    %dma_wait3A_119 = tpu.memref_slice %arg4[%dma_wait3A_116, %dma_wait3A_117, %dma_wait3A_118] : memref<4x8192x1024xf32, #tpu.memory_space<hbm>> -> memref<4x8x512xf32, #tpu.memory_space<hbm>>
    %dma_wait3A_120 = arith.constant 0 : i32
    %dma_wait3A_121 = arith.constant 0 : i32
    %dma_wait3A_122 = arith.constant 0 : i32
    %dma_wait3A_123 = tpu.memref_slice %arg4[%dma_wait3A_120, %dma_wait3A_121, %dma_wait3A_122] : memref<4x8192x1024xf32, #tpu.memory_space<hbm>> -> memref<4x8x512xf32, #tpu.memory_space<hbm>>
    tpu.wait_dma2 semaphore(%arg34 : memref<!tpu.dma_semaphore, #tpu.memory_space<semaphore_mem>>) src(%arg10 : memref<4x8x512xf32, #tpu.memory_space<vmem>>) dst(%dma_wait3A_123 : memref<4x8x512xf32, #tpu.memory_space<hbm>>)
    %dma_wait3A_124 = arith.constant 0 : i32
    %dma_wait3A_125 = arith.constant 0 : i32
    %dma_wait3A_126 = tpu.memref_slice %arg3[%dma_wait3A_124, %dma_wait3A_125] : memref<8192x1024xf32, #tpu.memory_space<hbm>> -> memref<8x512xf32, #tpu.memory_space<hbm>>
    %dma_wait3A_127 = arith.constant 0 : i32
    %dma_wait3A_128 = arith.constant 0 : i32
    %dma_wait3A_129 = tpu.memref_slice %arg3[%dma_wait3A_127, %dma_wait3A_128] : memref<8192x1024xf32, #tpu.memory_space<hbm>> -> memref<8x512xf32, #tpu.memory_space<hbm>>
    tpu.wait_dma2 semaphore(%arg25 : memref<!tpu.dma_semaphore, #tpu.memory_space<semaphore_mem>>) src(%dma_wait3A_129 : memref<8x512xf32, #tpu.memory_space<hbm>>) dst(%arg13 : memref<8x512xf32, #tpu.memory_space<vmem>>)
    %dma_wait3A_130 = arith.constant 0 : i32
    %dma_wait3A_131 = arith.constant 0 : i32
    %dma_wait3A_132 = arith.constant 0 : i32
    %dma_wait3A_133 = tpu.memref_slice %arg2[%dma_wait3A_130, %dma_wait3A_131, %dma_wait3A_132] : memref<4x8192x1024xf32, #tpu.memory_space<hbm>> -> memref<4x8x512xf32, #tpu.memory_space<hbm>>
    %dma_wait3A_134 = arith.constant 0 : i32
    %dma_wait3A_135 = arith.constant 0 : i32
    %dma_wait3A_136 = arith.constant 0 : i32
    %dma_wait3A_137 = tpu.memref_slice %arg2[%dma_wait3A_134, %dma_wait3A_135, %dma_wait3A_136] : memref<4x8192x1024xf32, #tpu.memory_space<hbm>> -> memref<4x8x512xf32, #tpu.memory_space<hbm>>
    tpu.wait_dma2 semaphore(%arg19 : memref<!tpu.dma_semaphore, #tpu.memory_space<semaphore_mem>>) src(%dma_wait3A_137 : memref<4x8x512xf32, #tpu.memory_space<hbm>>) dst(%arg7 : memref<4x8x512xf32, #tpu.memory_space<vmem>>)
    %parallel_loop3A_138 = arith.constant 0 : i32
    %parallel_loop3A_139 = arith.constant 4096 : i32
    %parallel_loop3A_140 = arith.constant 16 : i32
    scf.for %parallel_loop3A_208 = %parallel_loop3A_138 to %parallel_loop3A_139 step %parallel_loop3A_140  : i32 {
      %parallel_loop3A_209 = arith.constant 9 : i32
      %parallel_loop3A_210 = arith.shrsi %parallel_loop3A_208, %parallel_loop3A_209 : i32
      %parallel_loop3A_211 = arith.constant 511 : i32
      %parallel_loop3A_212 = arith.andi %parallel_loop3A_208, %parallel_loop3A_211 : i32
      %parallel_loop3A_213 = tpu.assume_multiple %parallel_loop3A_212, 16 : i32
      %parallel_loop3A_214 = arith.index_cast %parallel_loop3A_210 : i32 to index
      %parallel_loop3A_215 = arith.index_cast %parallel_loop3A_213 : i32 to index
      %parallel_loop3A_216 = tpu.vector_load %arg13[%parallel_loop3A_214, %parallel_loop3A_215] {strides = array<i32>} : memref<8x512xf32, #tpu.memory_space<vmem>>, vector<1x16xf32>,
      %parallel_loop3A_217 = vector.shape_cast %parallel_loop3A_216 : vector<1x16xf32> to vector<16xf32>
      %parallel_loop3A_218 = arith.constant 0 : i32
      %parallel_loop3A_219 = arith.index_cast %parallel_loop3A_218 : i32 to index
      %parallel_loop3A_220 = arith.index_cast %parallel_loop3A_210 : i32 to index
      %parallel_loop3A_221 = arith.index_cast %parallel_loop3A_213 : i32 to index
      %parallel_loop3A_222 = tpu.vector_load %arg7[%parallel_loop3A_219, %parallel_loop3A_220, %parallel_loop3A_221] {strides = array<i32>} : memref<4x8x512xf32, #tpu.memory_space<vmem>>, vector<1x1x16xf32>,
      %parallel_loop3A_223 = vector.shape_cast %parallel_loop3A_222 : vector<1x1x16xf32> to vector<16xf32>
      %parallel_loop3A_224 = vector.shape_cast %parallel_loop3A_217 : vector<16xf32> to vector<1x1x16xf32>
      tpu.vector_store %arg7[%parallel_loop3A_219, %parallel_loop3A_220, %parallel_loop3A_221], %parallel_loop3A_224 {add = true, strides = array<i32>} : memref<4x8x512xf32, #tpu.memory_space<vmem>>, vector<1x1x16xf32>,
      %parallel_loop3A_225 = arith.constant 1 : i32
      %parallel_loop3A_226 = arith.index_cast %parallel_loop3A_225 : i32 to index
      %parallel_loop3A_227 = arith.index_cast %parallel_loop3A_210 : i32 to index
      %parallel_loop3A_228 = arith.index_cast %parallel_loop3A_213 : i32 to index
      %parallel_loop3A_229 = tpu.vector_load %arg7[%parallel_loop3A_226, %parallel_loop3A_227, %parallel_loop3A_228] {strides = array<i32>} : memref<4x8x512xf32, #tpu.memory_space<vmem>>, vector<1x1x16xf32>,
      %parallel_loop3A_230 = vector.shape_cast %parallel_loop3A_229 : vector<1x1x16xf32> to vector<16xf32>
      %parallel_loop3A_231 = vector.shape_cast %parallel_loop3A_217 : vector<16xf32> to vector<1x1x16xf32>
      tpu.vector_store %arg7[%parallel_loop3A_226, %parallel_loop3A_227, %parallel_loop3A_228], %parallel_loop3A_231 {add = true, strides = array<i32>} : memref<4x8x512xf32, #tpu.memory_space<vmem>>, vector<1x1x16xf32>,
      %parallel_loop3A_232 = arith.constant 2 : i32
      %parallel_loop3A_233 = arith.index_cast %parallel_loop3A_232 : i32 to index
      %parallel_loop3A_234 = arith.index_cast %parallel_loop3A_210 : i32 to index
      %parallel_loop3A_235 = arith.index_cast %parallel_loop3A_213 : i32 to index
      %parallel_loop3A_236 = tpu.vector_load %arg7[%parallel_loop3A_233, %parallel_loop3A_234, %parallel_loop3A_235] {strides = array<i32>} : memref<4x8x512xf32, #tpu.memory_space<vmem>>, vector<1x1x16xf32>,
      %parallel_loop3A_237 = vector.shape_cast %parallel_loop3A_236 : vector<1x1x16xf32> to vector<16xf32>
      %parallel_loop3A_238 = vector.shape_cast %parallel_loop3A_217 : vector<16xf32> to vector<1x1x16xf32>
      tpu.vector_store %arg7[%parallel_loop3A_233, %parallel_loop3A_234, %parallel_loop3A_235], %parallel_loop3A_238 {add = true, strides = array<i32>} : memref<4x8x512xf32, #tpu.memory_space<vmem>>, vector<1x1x16xf32>,
      %parallel_loop3A_239 = arith.constant 3 : i32
      %parallel_loop3A_240 = arith.index_cast %parallel_loop3A_239 : i32 to index
      %parallel_loop3A_241 = arith.index_cast %parallel_loop3A_210 : i32 to index
      %parallel_loop3A_242 = arith.index_cast %parallel_loop3A_213 : i32 to index
      %parallel_loop3A_243 = tpu.vector_load %arg7[%parallel_loop3A_240, %parallel_loop3A_241, %parallel_loop3A_242] {strides = array<i32>} : memref<4x8x512xf32, #tpu.memory_space<vmem>>, vector<1x1x16xf32>,
      %parallel_loop3A_244 = vector.shape_cast %parallel_loop3A_243 : vector<1x1x16xf32> to vector<16xf32>
      %parallel_loop3A_245 = vector.shape_cast %parallel_loop3A_217 : vector<16xf32> to vector<1x1x16xf32>
      tpu.vector_store %arg7[%parallel_loop3A_240, %parallel_loop3A_241, %parallel_loop3A_242], %parallel_loop3A_245 {add = true, strides = array<i32>} : memref<4x8x512xf32, #tpu.memory_space<vmem>>, vector<1x1x16xf32>,
    } {sc.loop_unroll_factor = 4 : i64, sc.parallel_access}
    %add3A_141 = arith.constant 248 : i32
    %add3A_142 = arith.addi %mul3A_2, %add3A_141 : i32
    %multiple_of3A_143 = tpu.assume_multiple %add3A_142, 8 : i32
    %dma_start3A_144 = arith.constant 0 : i32
    %dma_start3A_145 = arith.constant 0 : i32
    %dma_start3A_146 = tpu.memref_slice %arg4[%dma_start3A_144, %multiple_of3A_143, %dma_start3A_145] : memref<4x8192x1024xf32, #tpu.memory_space<hbm>> -> memref<4x8x512xf32, #tpu.memory_space<hbm>>
    %dma_start3A_147 = arith.constant 0 : i32
    %dma_start3A_148 = arith.constant 0 : i32
    %dma_start3A_149 = tpu.memref_slice %arg4[%dma_start3A_147, %multiple_of3A_143, %dma_start3A_148] : memref<4x8192x1024xf32, #tpu.memory_space<hbm>> -> memref<4x8x512xf32, #tpu.memory_space<hbm>>
    tpu.enqueue_dma source(%arg7 : memref<4x8x512xf32, #tpu.memory_space<vmem>>) target(%dma_start3A_149 : memref<4x8x512xf32, #tpu.memory_space<hbm>>) target_semaphore(%arg31 : memref<!tpu.dma_semaphore, #tpu.memory_space<semaphore_mem>>)
    %dma_wait3A_150 = arith.constant 0 : i32
    %dma_wait3A_151 = arith.constant 0 : i32
    %dma_wait3A_152 = arith.constant 0 : i32
    %dma_wait3A_153 = tpu.memref_slice %arg4[%dma_wait3A_150, %dma_wait3A_151, %dma_wait3A_152] : memref<4x8192x1024xf32, #tpu.memory_space<hbm>> -> memref<4x8x512xf32, #tpu.memory_space<hbm>>
    %dma_wait3A_154 = arith.constant 0 : i32
    %dma_wait3A_155 = arith.constant 0 : i32
    %dma_wait3A_156 = arith.constant 0 : i32
    %dma_wait3A_157 = tpu.memref_slice %arg4[%dma_wait3A_154, %dma_wait3A_155, %dma_wait3A_156] : memref<4x8192x1024xf32, #tpu.memory_space<hbm>> -> memref<4x8x512xf32, #tpu.memory_space<hbm>>
    tpu.wait_dma2 semaphore(%arg29 : memref<!tpu.dma_semaphore, #tpu.memory_space<semaphore_mem>>) src(%arg5 : memref<4x8x512xf32, #tpu.memory_space<vmem>>) dst(%dma_wait3A_157 : memref<4x8x512xf32, #tpu.memory_space<hbm>>)
    %dma_wait3A_158 = arith.constant 0 : i32
    %dma_wait3A_159 = arith.constant 0 : i32
    %dma_wait3A_160 = tpu.memref_slice %arg3[%dma_wait3A_158, %dma_wait3A_159] : memref<8192x1024xf32, #tpu.memory_space<hbm>> -> memref<8x512xf32, #tpu.memory_space<hbm>>
    %dma_wait3A_161 = arith.constant 0 : i32
    %dma_wait3A_162 = arith.constant 0 : i32
    %dma_wait3A_163 = tpu.memref_slice %arg3[%dma_wait3A_161, %dma_wait3A_162] : memref<8192x1024xf32, #tpu.memory_space<hbm>> -> memref<8x512xf32, #tpu.memory_space<hbm>>
    tpu.wait_dma2 semaphore(%arg26 : memref<!tpu.dma_semaphore, #tpu.memory_space<semaphore_mem>>) src(%dma_wait3A_163 : memref<8x512xf32, #tpu.memory_space<hbm>>) dst(%arg14 : memref<8x512xf32, #tpu.memory_space<vmem>>)
    %dma_wait3A_164 = arith.constant 0 : i32
    %dma_wait3A_165 = arith.constant 0 : i32
    %dma_wait3A_166 = arith.constant 0 : i32
    %dma_wait3A_167 = tpu.memref_slice %arg2[%dma_wait3A_164, %dma_wait3A_165, %dma_wait3A_166] : memref<4x8192x1024xf32, #tpu.memory_space<hbm>> -> memref<4x8x512xf32, #tpu.memory_space<hbm>>
    %dma_wait3A_168 = arith.constant 0 : i32
    %dma_wait3A_169 = arith.constant 0 : i32
    %dma_wait3A_170 = arith.constant 0 : i32
    %dma_wait3A_171 = tpu.memref_slice %arg2[%dma_wait3A_168, %dma_wait3A_169, %dma_wait3A_170] : memref<4x8192x1024xf32, #tpu.memory_space<hbm>> -> memref<4x8x512xf32, #tpu.memory_space<hbm>>
    tpu.wait_dma2 semaphore(%arg20 : memref<!tpu.dma_semaphore, #tpu.memory_space<semaphore_mem>>) src(%dma_wait3A_171 : memref<4x8x512xf32, #tpu.memory_space<hbm>>) dst(%arg8 : memref<4x8x512xf32, #tpu.memory_space<vmem>>)
    %parallel_loop3A_172 = arith.constant 0 : i32
    %parallel_loop3A_173 = arith.constant 4096 : i32
    %parallel_loop3A_174 = arith.constant 16 : i32
    scf.for %parallel_loop3A_208 = %parallel_loop3A_172 to %parallel_loop3A_173 step %parallel_loop3A_174  : i32 {
      %parallel_loop3A_209 = arith.constant 9 : i32
      %parallel_loop3A_210 = arith.shrsi %parallel_loop3A_208, %parallel_loop3A_209 : i32
      %parallel_loop3A_211 = arith.constant 511 : i32
      %parallel_loop3A_212 = arith.andi %parallel_loop3A_208, %parallel_loop3A_211 : i32
      %parallel_loop3A_213 = tpu.assume_multiple %parallel_loop3A_212, 16 : i32
      %parallel_loop3A_214 = arith.index_cast %parallel_loop3A_210 : i32 to index
      %parallel_loop3A_215 = arith.index_cast %parallel_loop3A_213 : i32 to index
      %parallel_loop3A_216 = tpu.vector_load %arg14[%parallel_loop3A_214, %parallel_loop3A_215] {strides = array<i32>} : memref<8x512xf32, #tpu.memory_space<vmem>>, vector<1x16xf32>,
      %parallel_loop3A_217 = vector.shape_cast %parallel_loop3A_216 : vector<1x16xf32> to vector<16xf32>
      %parallel_loop3A_218 = arith.constant 0 : i32
      %parallel_loop3A_219 = arith.index_cast %parallel_loop3A_218 : i32 to index
      %parallel_loop3A_220 = arith.index_cast %parallel_loop3A_210 : i32 to index
      %parallel_loop3A_221 = arith.index_cast %parallel_loop3A_213 : i32 to index
      %parallel_loop3A_222 = tpu.vector_load %arg8[%parallel_loop3A_219, %parallel_loop3A_220, %parallel_loop3A_221] {strides = array<i32>} : memref<4x8x512xf32, #tpu.memory_space<vmem>>, vector<1x1x16xf32>,
      %parallel_loop3A_223 = vector.shape_cast %parallel_loop3A_222 : vector<1x1x16xf32> to vector<16xf32>
      %parallel_loop3A_224 = vector.shape_cast %parallel_loop3A_217 : vector<16xf32> to vector<1x1x16xf32>
      tpu.vector_store %arg8[%parallel_loop3A_219, %parallel_loop3A_220, %parallel_loop3A_221], %parallel_loop3A_224 {add = true, strides = array<i32>} : memref<4x8x512xf32, #tpu.memory_space<vmem>>, vector<1x1x16xf32>,
      %parallel_loop3A_225 = arith.constant 1 : i32
      %parallel_loop3A_226 = arith.index_cast %parallel_loop3A_225 : i32 to index
      %parallel_loop3A_227 = arith.index_cast %parallel_loop3A_210 : i32 to index
      %parallel_loop3A_228 = arith.index_cast %parallel_loop3A_213 : i32 to index
      %parallel_loop3A_229 = tpu.vector_load %arg8[%parallel_loop3A_226, %parallel_loop3A_227, %parallel_loop3A_228] {strides = array<i32>} : memref<4x8x512xf32, #tpu.memory_space<vmem>>, vector<1x1x16xf32>,
      %parallel_loop3A_230 = vector.shape_cast %parallel_loop3A_229 : vector<1x1x16xf32> to vector<16xf32>
      %parallel_loop3A_231 = vector.shape_cast %parallel_loop3A_217 : vector<16xf32> to vector<1x1x16xf32>
      tpu.vector_store %arg8[%parallel_loop3A_226, %parallel_loop3A_227, %parallel_loop3A_228], %parallel_loop3A_231 {add = true, strides = array<i32>} : memref<4x8x512xf32, #tpu.memory_space<vmem>>, vector<1x1x16xf32>,
      %parallel_loop3A_232 = arith.constant 2 : i32
      %parallel_loop3A_233 = arith.index_cast %parallel_loop3A_232 : i32 to index
      %parallel_loop3A_234 = arith.index_cast %parallel_loop3A_210 : i32 to index
      %parallel_loop3A_235 = arith.index_cast %parallel_loop3A_213 : i32 to index
      %parallel_loop3A_236 = tpu.vector_load %arg8[%parallel_loop3A_233, %parallel_loop3A_234, %parallel_loop3A_235] {strides = array<i32>} : memref<4x8x512xf32, #tpu.memory_space<vmem>>, vector<1x1x16xf32>,
      %parallel_loop3A_237 = vector.shape_cast %parallel_loop3A_236 : vector<1x1x16xf32> to vector<16xf32>
      %parallel_loop3A_238 = vector.shape_cast %parallel_loop3A_217 : vector<16xf32> to vector<1x1x16xf32>
      tpu.vector_store %arg8[%parallel_loop3A_233, %parallel_loop3A_234, %parallel_loop3A_235], %parallel_loop3A_238 {add = true, strides = array<i32>} : memref<4x8x512xf32, #tpu.memory_space<vmem>>, vector<1x1x16xf32>,
      %parallel_loop3A_239 = arith.constant 3 : i32
      %parallel_loop3A_240 = arith.index_cast %parallel_loop3A_239 : i32 to index
      %parallel_loop3A_241 = arith.index_cast %parallel_loop3A_210 : i32 to index
      %parallel_loop3A_242 = arith.index_cast %parallel_loop3A_213 : i32 to index
      %parallel_loop3A_243 = tpu.vector_load %arg8[%parallel_loop3A_240, %parallel_loop3A_241, %parallel_loop3A_242] {strides = array<i32>} : memref<4x8x512xf32, #tpu.memory_space<vmem>>, vector<1x1x16xf32>,
      %parallel_loop3A_244 = vector.shape_cast %parallel_loop3A_243 : vector<1x1x16xf32> to vector<16xf32>
      %parallel_loop3A_245 = vector.shape_cast %parallel_loop3A_217 : vector<16xf32> to vector<1x1x16xf32>
      tpu.vector_store %arg8[%parallel_loop3A_240, %parallel_loop3A_241, %parallel_loop3A_242], %parallel_loop3A_245 {add = true, strides = array<i32>} : memref<4x8x512xf32, #tpu.memory_space<vmem>>, vector<1x1x16xf32>,
    } {sc.loop_unroll_factor = 4 : i64, sc.parallel_access}
    %add3A_175 = arith.constant 248 : i32
    %add3A_176 = arith.addi %mul3A_2, %add3A_175 : i32
    %multiple_of3A_177 = tpu.assume_multiple %add3A_176, 8 : i32
    %dma_start3A_178 = arith.constant 0 : i32
    %dma_start3A_179 = arith.constant 512 : i32
    %dma_start3A_180 = tpu.memref_slice %arg4[%dma_start3A_178, %multiple_of3A_177, %dma_start3A_179] : memref<4x8192x1024xf32, #tpu.memory_space<hbm>> -> memref<4x8x512xf32, #tpu.memory_space<hbm>>
    %dma_start3A_181 = arith.constant 0 : i32
    %dma_start3A_182 = arith.constant 512 : i32
    %dma_start3A_183 = tpu.memref_slice %arg4[%dma_start3A_181, %multiple_of3A_177, %dma_start3A_182] : memref<4x8192x1024xf32, #tpu.memory_space<hbm>> -> memref<4x8x512xf32, #tpu.memory_space<hbm>>
    tpu.enqueue_dma source(%arg8 : memref<4x8x512xf32, #tpu.memory_space<vmem>>) target(%dma_start3A_183 : memref<4x8x512xf32, #tpu.memory_space<hbm>>) target_semaphore(%arg32 : memref<!tpu.dma_semaphore, #tpu.memory_space<semaphore_mem>>)
    %dma_wait3A_184 = arith.constant 0 : i32
    %dma_wait3A_185 = arith.constant 0 : i32
    %dma_wait3A_186 = arith.constant 0 : i32
    %dma_wait3A_187 = tpu.memref_slice %arg4[%dma_wait3A_184, %dma_wait3A_185, %dma_wait3A_186] : memref<4x8192x1024xf32, #tpu.memory_space<hbm>> -> memref<4x8x512xf32, #tpu.memory_space<hbm>>
    %dma_wait3A_188 = arith.constant 0 : i32
    %dma_wait3A_189 = arith.constant 0 : i32
    %dma_wait3A_190 = arith.constant 0 : i32
    %dma_wait3A_191 = tpu.memref_slice %arg4[%dma_wait3A_188, %dma_wait3A_189, %dma_wait3A_190] : memref<4x8192x1024xf32, #tpu.memory_space<hbm>> -> memref<4x8x512xf32, #tpu.memory_space<hbm>>
    tpu.wait_dma2 semaphore(%arg30 : memref<!tpu.dma_semaphore, #tpu.memory_space<semaphore_mem>>) src(%arg6 : memref<4x8x512xf32, #tpu.memory_space<vmem>>) dst(%dma_wait3A_191 : memref<4x8x512xf32, #tpu.memory_space<hbm>>)
    %dma_wait3A_192 = arith.constant 0 : i32
    %dma_wait3A_193 = arith.constant 0 : i32
    %dma_wait3A_194 = arith.constant 0 : i32
    %dma_wait3A_195 = tpu.memref_slice %arg4[%dma_wait3A_192, %dma_wait3A_193, %dma_wait3A_194] : memref<4x8192x1024xf32, #tpu.memory_space<hbm>> -> memref<4x8x512xf32, #tpu.memory_space<hbm>>
    %dma_wait3A_196 = arith.constant 0 : i32
    %dma_wait3A_197 = arith.constant 0 : i32
    %dma_wait3A_198 = arith.constant 0 : i32
    %dma_wait3A_199 = tpu.memref_slice %arg4[%dma_wait3A_196, %dma_wait3A_197, %dma_wait3A_198] : memref<4x8192x1024xf32, #tpu.memory_space<hbm>> -> memref<4x8x512xf32, #tpu.memory_space<hbm>>
    tpu.wait_dma2 semaphore(%arg31 : memref<!tpu.dma_semaphore, #tpu.memory_space<semaphore_mem>>) src(%arg7 : memref<4x8x512xf32, #tpu.memory_space<vmem>>) dst(%dma_wait3A_199 : memref<4x8x512xf32, #tpu.memory_space<hbm>>)
    %dma_wait3A_200 = arith.constant 0 : i32
    %dma_wait3A_201 = arith.constant 0 : i32
    %dma_wait3A_202 = arith.constant 0 : i32
    %dma_wait3A_203 = tpu.memref_slice %arg4[%dma_wait3A_200, %dma_wait3A_201, %dma_wait3A_202] : memref<4x8192x1024xf32, #tpu.memory_space<hbm>> -> memref<4x8x512xf32, #tpu.memory_space<hbm>>
    %dma_wait3A_204 = arith.constant 0 : i32
    %dma_wait3A_205 = arith.constant 0 : i32
    %dma_wait3A_206 = arith.constant 0 : i32
    %dma_wait3A_207 = tpu.memref_slice %arg4[%dma_wait3A_204, %dma_wait3A_205, %dma_wait3A_206] : memref<4x8192x1024xf32, #tpu.memory_space<hbm>> -> memref<4x8x512xf32, #tpu.memory_space<hbm>>
    tpu.wait_dma2 semaphore(%arg32 : memref<!tpu.dma_semaphore, #tpu.memory_space<semaphore_mem>>) src(%arg8 : memref<4x8x512xf32, #tpu.memory_space<vmem>>) dst(%dma_wait3A_207 : memref<4x8x512xf32, #tpu.memory_space<hbm>>)
    return
  }
}

</mosaic_0001>

<sc_bundles>
// kernel: kernel.3.cloned.1.call-start
scs
__scs_entry_jumppad:
0x0: {  	(pc) =	sbr.rel $0x88, $3  }
0x1: {  	(tag) =	ssettag $0x0;
	lr =	simm.s32 $0x1  }
0x2: {  	[smem:$0x3F9F] =	sst lr;
	_ =	strace $0xD0000000  }
0x3: {  	_ = 	snop  }
0x4: {  	_ = 	snop  }
0x5: {  	_ = 	snop  }
0x6: {  	_ = 	snop  }
0x7: {  	_ = 	snop  }
__scs_overlays_trampoline_lowered:
0x8: {  	[smem:$0x3FAE] =	sst s0  }
0x9: {  	[smem:$0x3FAF] =	sst s1  }
0xa: {  	[smem:$0x3FB0] =	sst s2  }
0xb: {  	[smem:$0x3FB1] =	sst s3  }
0xc: {  	[smem:$0x3FB2] =	sst s4  }
0xd: {  	[smem:$0x3FB3] =	sst s5  }
0xe: {  	[smem:$0x3FB4] =	sst s6  }
0xf: {  	[smem:$0x3FB5] =	sst s7  }
0x10: {  	[smem:$0x3FB6] =	sst s8  }
0x11: {  	[smem:$0x3FB7] =	sst s9;
	s0 =	simm.s32 @!p0 $0x0  }
0x12: {  	s1 =	sld [smem:$0x3F9D];
	s0 =	simm.s32 @p0 $0x1  }
0x13: {  	[smem:$0x3FB8] =	sst s0;
	s0 =	simm.s32 @!p1 $0x0  }
0x14: {  	s2 =	sld [smem:$0x3F9C];
	s0 =	simm.s32 @p1 $0x1  }
0x15: {  	[smem:$0x3FB9] =	sst s0;
	s0 =	simm.s32 @!p2 $0x0  }
0x16: {  	s3 =	sld [smem:$0x3FDB];
	s0 =	simm.s32 @p2 $0x1  }
0x17: {  	s4 =	simm.s32 $0x1BF5;
	[smem:$0x3FBB] =	sst s0  }
0x18: {  	s0 =	sld [smem:$0x3F9E];
	_ =	swait.ge [sflag:s4], $0x0  }
0x19: {  	s7 =	sld [smem:$0x3F9F]  }
0x1a: {  	s8 =	sadd.s32 $0xFFFFE003, lr  }
0x1b: {  	s9 =	sadd.s32 $0xFFFFFEF7, lr;
	s5 =	simm.s32 $0xFFFFFFFF;
	p2 =	slt.u32 s8, $0xFFFFF086  }
0x1c: {  	p1 =	slt.u32 s9, $0xF7A;
	s5 =	simm.s32 @!p2 $0x0  }
0x1d: {  	s5 =	simm.s32 @p1 $0x1;
	p0 =	seq.s32 s7, s2  }
0x1e: {  	s7 =	smul.u32 @!p0 $0xF7A, s2;
	p2 =	seq.s32 @!p0 s5, $0x0  }
0x1f: {  	s9 =	smul.u32 $0xF7A, s1;
	s8 =	simm.s32 @!p0 $0x1BF5;
	p2 =	por !p2, p0  }
0x20: {  	[sflag:s8] =	ssyncset.s32 @!p0 $0xFFFFF086;
	s6 =	sadd.s32 @!p0 s3, s7;
	s7 =	simm.s32 @!p0 $0x108  }
0x21: {  	s3 =	sadd.s32 s3, s9;
	s6 =	sadd.s32 @!p0 $0x88, s6;
	s7 =	simm.s32 @p2 $0x1082  }
0x22: {  	[simem:s7], [sflag:s8] =	dma.local @!p0 [hbm:s6], $0xF7A  }
0x23: {  	s9 =	sor.u32 $0xD0000000, s2;
	s6 =	simm.s32 $0x108;
	_ =	swait.ge @!p0 [sflag:s8], $0x0  }
0x24: {  	s3 =	sadd.s32 $0x88, s3;
	s6 =	simm.s32 @!p1 $0x1082;
	[sflag:s4] =	ssyncset.s32 $0xFFFFF086  }
0x25: {  	[simem:s6], [sflag:s4] =	dma.local [hbm:s3], $0xF7A  }
0x26: {  	[smem:$0x3F9F] =	sst s1;
	(tag) =	ssettag s2;
	_ =	strace s9  }
0x27: {  	s1 =	sld [smem:$0x3FAF]  }
0x28: {  	s2 =	sld [smem:$0x3FB0]  }
0x29: {  	s4 =	sld [smem:$0x3FB2]  }
0x2a: {  	p0 =	seq.s32 s5, $0x0;
	s5 =	sld [smem:$0x3FB3]  }
0x2b: {  	s6 =	sld [smem:$0x3FB4]  }
0x2c: {  	s7 =	sld [smem:$0x3FB5]  }
0x2d: {  	s3 =	simm.s32 $0x108;
	s8 =	sld [smem:$0x3FB6]  }
0x2e: {  	s3 =	simm.s32 @!p0 $0x1082;
	s9 =	sld [smem:$0x3FB7]  }
0x2f: {  	lr =	sadd.s32 s0, s3;
	s0 =	sld [smem:$0x3FAE]  }
0x30: {  	s3 =	sld [smem:$0x3FB1]  }
0x31: {  	[smem:$0x3FBA] =	sst s10  }
0x32: {  	s10 =	sld [smem:$0x3FB8];
	_ =	sdelay $0x3  }
0x33: {  	p0 =	seq.s32 s10, $0x1;
	s10 =	sld [smem:$0x3FBA];
	_ =	sdelay $0x3  }
0x34: {  	[smem:$0x3FBA] =	sst s10  }
0x35: {  	s10 =	sld [smem:$0x3FB9];
	_ =	sdelay $0x3  }
0x36: {  	p1 =	seq.s32 s10, $0x1;
	s10 =	sld [smem:$0x3FBA];
	_ =	sdelay $0x3  }
0x37: {  	[smem:$0x3FBA] =	sst s10  }
0x38: {  	s10 =	sld [smem:$0x3FBB]  }
0x39: {  	_ = 	snop;
	(pc) =	sbr.ind lr, $3  }
0x3a: {  	_ = 	snop  }
0x3b: {  	_ = 	snop  }
0x3c: {  	p2 =	seq.s32 s10, $0x1;
	s10 =	sld [smem:$0x3FBA]  }
0x3d: {  	_ =	shalt  }
0x3e: {  	_ =	shalt  }
0x3f: {  	_ =	shalt  }
0x40: {  	_ =	shalt  }
0x41: {  	_ =	shalt  }
0x42: {  	_ =	shalt  }
0x43: {  	_ =	shalt  }
0x44: {  	_ =	shalt  }
0x45: {  	_ =	shalt  }
0x46: {  	_ =	shalt  }
0x47: {  	_ =	shalt  }
0x48: {  	_ =	shalt  }
0x49: {  	_ =	shalt  }
0x4a: {  	_ =	shalt  }
0x4b: {  	_ =	shalt  }
0x4c: {  	_ =	shalt  }
0x4d: {  	_ =	shalt  }
0x4e: {  	_ =	shalt  }
0x4f: {  	_ =	shalt  }
0x50: {  	_ =	shalt  }
0x51: {  	_ =	shalt  }
0x52: {  	_ =	shalt  }
0x53: {  	_ =	shalt  }
0x54: {  	_ =	shalt  }
0x55: {  	_ =	shalt  }
0x56: {  	_ =	shalt  }
0x57: {  	_ =	shalt  }
0x58: {  	_ =	shalt  }
0x59: {  	_ =	shalt  }
0x5a: {  	_ =	shalt  }
0x5b: {  	_ =	shalt  }
0x5c: {  	_ =	shalt  }
0x5d: {  	_ =	shalt  }
0x5e: {  	_ =	shalt  }
0x5f: {  	_ =	shalt  }
0x60: {  	_ =	shalt  }
0x61: {  	_ =	shalt  }
0x62: {  	_ =	shalt  }
0x63: {  	_ =	shalt  }
0x64: {  	_ =	shalt  }
0x65: {  	_ =	shalt  }
0x66: {  	_ =	shalt  }
0x67: {  	_ =	shalt  }
0x68: {  	_ =	shalt  }
0x69: {  	_ =	shalt  }
0x6a: {  	_ =	shalt  }
0x6b: {  	_ =	shalt  }
0x6c: {  	_ =	shalt  }
0x6d: {  	_ =	shalt  }
0x6e: {  	_ =	shalt  }
0x6f: {  	_ =	shalt  }
0x70: {  	_ =	shalt  }
0x71: {  	_ =	shalt  }
0x72: {  	_ =	shalt  }
0x73: {  	_ =	shalt  }
0x74: {  	_ =	shalt  }
0x75: {  	_ =	shalt  }
0x76: {  	_ =	shalt  }
0x77: {  	_ =	shalt  }
0x78: {  	_ =	shalt  }
0x79: {  	_ =	shalt  }
0x7a: {  	_ =	shalt  }
0x7b: {  	_ =	shalt  }
0x7c: {  	_ =	shalt  }
0x7d: {  	_ =	shalt  }
0x7e: {  	_ =	shalt  }
0x7f: {  	_ =	shalt  }
0x80: {  	_ =	shalt  }
0x81: {  	_ =	shalt  }
0x82: {  	_ =	shalt  }
0x83: {  	_ =	shalt  }
0x84: {  	_ =	shalt  }
0x85: {  	_ =	shalt  }
0x86: {  	_ =	shalt  }
0x87: {  	_ =	shalt  }
.Lfunc_end0:
.L_simem_size_0:
called_computation_lowered:
.L_overlay_start_0:
0x88: {  	s2 =	sld [smem:$0x3FD9]  }
0x89: {  	s3 =	sld [smem:$0x3FFE];
	_ =	sdelay $0x1  }
0x8a: {  	s1 =	srdreg.scid  }
0x8b: {  	s0 =	sand.u32 $0x1, s1  }
0x8c: {  	s18 =	sshll.u32 s0, $0xA;
	s2 =	sadd.s32 s3, s2  }
0x8d: {  	s2 =	sadd.s32 s2, s18  }
0x8e: {  	[smem:$0x3FC6] =	sst s2  }
0x8f: {  	_ = 	snop  }
0x90: {  	s2 =	sld [smem:$0x3FC9]  }
0x91: {  	s19 =	sld [smem:$0x3FC8]  }
0x92: {  	s4 =	sld [smem:$0x3FD0];
	(tm) =	ssettm $0x1  }
0x93: {  	s5 =	sld [smem:$0x3FFB];
	_ =	sdelay $0x3  }
0x94: {  	_ =	strace s5  }
0x95: {  	s5 =	sld [smem:$0x3FFC];
	_ =	sdelay $0x3  }
0x96: {  	_ =	strace s5  }
0x97: {  	s5 =	sld [smem:$0x3FFD];
	_ =	sdelay $0x3  }
0x98: {  	_ =	strace s5  }
0x99: {  	_ =	strace $0x8FFFFFFF  }
0x9a: {  	s20 =	sld [smem:$0x3FDB];
	_ =	sdelay $0x1  }
0x9b: {  	s6 =	simm.s32 $_scs_section_size  }
0x9c: {  	s7 =	simm.s32 $_size__tile_overlayer_lowered;
	s8 =	simm.s32 $_tile_overlayer_lowered  }
0x9d: {  	s23 =	simm.s32 $0x1BFF;
	s22 =	sshll.u32 s8, $0x1;
	s5 =	sadd.s32 s6, s20  }
0x9e: {  	s9 =	simm.s32 $0x0;
	s21 =	sshll.u32 s7, $0x1;
	s7 =	sadd.s32 s22, s5  }
0x9f: {  	[timem:s9], [sflag:s23] =	dma.local [hbm:s7], s21  }
0xa0: {  	_ =	swait.ge [sflag:s23], s21  }
0xa1: {  	s6 =	ssub.s32 $0x0, s21;
	[sflag:s23] =	ssyncset.done $0x0  }
0xa2: {  	[sflag:s23] =	ssyncadd.s32 s6;
	_ =	sdelay $0x1  }
0xa3: {  	s24 =	simm.s32 $0x1B8B  }
0xa4: {  	_ =	swait.ge [sflag:s24], $0x1  }
0xa5: {  	[sflag:s24] =	ssyncset.done $0x0  }
0xa6: {  	s25 =	simm.s32 $0x1B8E;
	[sflag:s24] =	ssyncadd.s32 $0xFFFFFFFF  }
0xa7: {  	s26 =	simm.s32 $execute0_lowered;
	[smem:$0x3FD2] =	sst s25  }
0xa8: {  	s6 =	sshll.u32 s26, $0x1;
	_ =	strace $0x80000046;
	[dreg:$0x1] =	wrdreg $0xFFFFFFFF  }
0xa9: {  	s28 =	simm.s32 $_size_execute0_lowered;
	s5 =	sadd.s32 s5, s6;
	[dreg:$0x0] =	wrdreg $0x0  }
0xaa: {  	s6 =	sshll.u32 s28, $0x1;
	[dreg:$0x2] =	wrdreg s5  }
0xab: {  	[dreg:$0x3] =	wrdreg s6  }
0xac: {  	[dreg:$0x4] =	wrdreg $0xC0  }
0xad: {  	_ =	task [dreg:s9], $0x5FFFF  }
0xae: {  	[dreg:$0x1] =	wrdreg $0xFFFFFFFF  }
0xaf: {  	[dreg:$0x0] =	wrdreg $0x60  }
0xb0: {  	[dreg:$0x2] =	wrdreg s2  }
0xb1: {  	[dreg:$0x3] =	wrdreg s19  }
0xb2: {  	[dreg:$0x4] =	wrdreg s4  }
0xb3: {  	[dreg:$0x5] =	wrdreg $0x9  }
0xb4: {  	_ =	task.clear_ibuf [dreg:s9], $0x6FFFF;
	_ =	strace $0x90000046  }
0xb5: {  	s29 =	simm.s32 $0x9;
	_ =	strace $0x80000048  }
0xb6: {  	_ =	swait.ge [sflag:s29], $0x1  }
0xb7: {  	[sflag:s29] =	ssyncadd.s32 $0xFFFFFFFF  }
0xb8: {  	_ =	strace $0x90000048  }
0xb9: {  	_ =	sfence  }
0xba: {  	s30 =	sld [smem:$0x0];
	_ =	sdelay $0x2  }
0xbb: {  	s31 =	sshll.u32 s1, $0xD;
	s1 =	sshrl.u32 s1, $0x2  }
0xbc: {  	s3 =	sand.u32 $0x4000, s31;
	s1 =	sadd.s32 s1, s30  }
0xbd: {  	s0 =	sor.u32 s3, s0;
	s1 =	sshll.u32 s1, $0x11  }
0xbe: {  	s0 =	sor.u32 s1, s0  }
0xbf: {  	s0 =	sadd.s32 $0x8F2B, s0  }
0xc0: {  	[sflag:s0] =	ssyncadd.remote.s32 $0x1  }
0xc1: {  	_ =	sfence.sel $0xFFFF  }
0xc2: {  	[dreg:$0x0] =	wrdreg $0xFFFFFFFF;
	(pc) =	sbr.abs _section_cstart, $3  }
0xc3: {  	[dreg:$0x1] =	wrdreg $0xFFFFFFFF  }
0xc4: {  	_ =	task.clear_ibuf [dreg:s9], $0x2FFFF;
	_ =	strace $0x9FFFFFFF  }
0xc5: {  	(tm) =	ssettm $0x7FFFFFFF  }
tec
execute0_lowered:
.L_overlay_start_1:
0x0: {  	(tag) =	ssettag $0x1  }
0x1: {  	s1 =	rddreg [dreg:$0x0]  }
0x2: {  	s3 =	rddreg [dreg:$0x1];
	s0 =	srdreg.scid  }
0x3: {  	s4 =	rddreg [dreg:$0x2];
	s2 =	stileid.u32;
	s0 =	sand.u32 $0x1, s0  }
0x4: {  	s30 =	simm.s32 $0x0;
	s2 =	sshll.u32 s2, $0x9;
	s5 =	sshll.u32 s0, $0x8  }
0x5: {  	[smem:$0x7FF] =	sst s30;
	s7 =	sor.u32 s5, s2  }
0x6: {  	_ =	strace $0x80000047;
	s19 =	sor.u32 $0x10, s7;
	[dreg:$0x4] =	wrdreg s7  }
0x7: {  	s26 =	sor.u32 $0x8, s7;
	[dreg:$0xe] =	wrdreg s19  }
0x8: {  	s28 =	sor.u32 $0x18, s7;
	[dreg:$0x17] =	wrdreg s26  }
0x9: {  	s5 =	sshll.u32 s7, $0x7;
	s29 =	sor.u32 $0x20, s7;
	[dreg:$0x18] =	wrdreg s28  }
0xa: {  	s10 =	sadd.s32 s3, s5;
	[dreg:$0x19] =	wrdreg s29  }
0xb: {  	s0 =	ssub.s32 $0x2, s0;
	s6 =	sadd.s32 s1, s5;
	[dreg:$0x5] =	wrdreg s10  }
0xc: {  	s18 =	sshll.u32 s7, $0xA;
	s17 =	sor.u32 $0x800, s5;
	[dreg:$0x6] =	wrdreg s6  }
0xd: {  	s9 =	sshrl.u32 s0, $0x1;
	s20 =	sor.u32 $0x2000, s18;
	[dreg:$0xd] =	wrdreg s17  }
0xe: {  	s0 =	ssub.s32 s0, s9;
	s21 =	sor.u32 $0x6000, s18;
	[dreg:$0xf] =	wrdreg s20  }
0xf: {  	s11 =	sor.u32 $0x200, s5;
	s0 =	smax.u32 s0, $0x1;
	[dreg:$0x10] =	wrdreg s21  }
0x10: {  	s12 =	sadd.s32 s3, s11;
	[dreg:$0x16] =	wrdreg s0  }
0x11: {  	s13 =	sor.u32 $0x400, s5;
	s2 =	sadd.s32 s1, s11;
	[dreg:$0x7] =	wrdreg s12  }
0x12: {  	s14 =	sadd.s32 s3, s13;
	[dreg:$0x8] =	wrdreg s2  }
0x13: {  	s15 =	sor.u32 $0x600, s5;
	s6 =	sadd.s32 s1, s13;
	[dreg:$0x9] =	wrdreg s14  }
0x14: {  	s5 =	sadd.s32 s5, s4;
	s16 =	sadd.s32 s3, s15;
	[dreg:$0xa] =	wrdreg s6  }
0x15: {  	s31 =	simm.s32 $0x1000;
	s22 =	sadd.s32 $0x7800, s5;
	[dreg:$0xb] =	wrdreg s16  }
0x16: {  	s23 =	sadd.s32 $0x7A00, s5;
	s24 =	sadd.s32 $0x7C00, s5;
	[dreg:$0x12] =	wrdreg s22  }
0x17: {  	s25 =	sadd.s32 $0x7E00, s5;
	s0 =	simm.s32 $0x800000;
	[dreg:$0x13] =	wrdreg s23  }
0x18: {  	s17 =	simm.s32 $0xF;
	s20 =	simm.s32 $0x10;
	[dreg:$0x14] =	wrdreg s24  }
0x19: {  	s5 =	simm.s32 $0x0;
	s2 =	sadd.s32 s1, s15;
	[dreg:$0x15] =	wrdreg s25  }
0x1a: {  	s10 =	simm.s32 $0xC000;
	[dreg:$0xc] =	wrdreg s2;
	s2 =	sor.u32 $0x8000, s18  }
0x1b: {  	s16 =	sadd.s32 $0x200, s4;
	s25 =	simm.s32 $0xC000;
	[dreg:$0x11] =	wrdreg s2  }
.LBB2_1:
0x1c: {  	[dreg:$0x1a] =	wrdreg s5  }
0x1d: {  	s2 =	rddreg [dreg:$0x5];
	s12 =	simm.s32 $0x18000  }
0x1e: {  	[tilespmem:s12], [sflag:$0x7] =	stream.linear.gather [hbm4b:s2+s30], $0x1000, $0x38;
	[tilespmem:$0x1E000] =	vst v63  }
0x1f: {  	s13 =	rddreg [dreg:$0x6]  }
0x20: {  	[tilespmem:s30], [sflag:$0x1] =	stream.strided.gather [hbm4b:s13+s31], $0x4000, s0, s31, $0x38;
	[tilespmem:$0x1E000] =	vst v63  }
0x21: {  	s14 =	rddreg [dreg:$0x7];
	s15 =	simm.s32 $0x19000  }
0x22: {  	[tilespmem:s15], [sflag:$0x8] =	stream.linear.gather [hbm4b:s14+s30], $0x1000, $0x38;
	[tilespmem:$0x1E000] =	vst v63  }
0x23: {  	s18 =	rddreg [dreg:$0x8];
	s19 =	simm.s32 $0x4000  }
0x24: {  	[tilespmem:s19], [sflag:$0x2] =	stream.strided.gather [hbm4b:s18+s31], $0x4000, s0, s31, $0x38;
	[tilespmem:$0x1E000] =	vst v63  }
0x25: {  	s21 =	rddreg [dreg:$0x9];
	s22 =	simm.s32 $0x1A000  }
0x26: {  	[tilespmem:s22], [sflag:$0x9] =	stream.linear.gather [hbm4b:s21+s30], $0x1000, $0x38;
	[tilespmem:$0x1E000] =	vst v63  }
0x27: {  	s23 =	rddreg [dreg:$0xa];
	s24 =	simm.s32 $0x8000  }
0x28: {  	[tilespmem:s24], [sflag:$0x3] =	stream.strided.gather [hbm4b:s23+s31], $0x4000, s0, s31, $0x38;
	[tilespmem:$0x1E000] =	vst v63  }
0x29: {  	s26 =	rddreg [dreg:$0xb];
	s28 =	simm.s32 $0x1B000  }
0x2a: {  	[tilespmem:s28], [sflag:$0xA] =	stream.linear.gather [hbm4b:s26+s30], $0x1000, $0x38;
	[tilespmem:$0x1E000] =	vst v63  }
0x2b: {  	s29 =	rddreg [dreg:$0xc];
	s26 =	simm.s32 $0x0  }
0x2c: {  	[tilespmem:s25], [sflag:$0x4] =	stream.strided.gather [hbm4b:s29+s31], $0x4000, s0, s31, $0x38;
	[tilespmem:$0x1E000] =	vst v63  }
.LBB2_2:
0x2d: {  	s2 =	simm.s32 $0x7  }
0x2e: {  	_ =	swait.ge [sflag:s2], $0x1000  }
0x2f: {  	s23 =	simm.s32 $0x1;
	s9 =	simm.s32 $0x0;
	[sflag:s2] =	ssyncset.done $0x0  }
0x30: {  	s7 =	simm.s32 $0x0;
	s5 =	sand.u32 $0x40, s9;
	[sflag:s2] =	ssyncadd.s32 $0xFFFFF000  }
0x31: {  	s6 =	sand.u32 $0xC00, s7;
	s11 =	sand.u32 $0x380, s7;
	_ =	swait.ge [sflag:s23], $0x4000  }
0x32: {  	s6 =	sor.u32 s11, s6;
	s24 =	sor.u32 $0x30, s5;
	[sflag:s23] =	ssyncset.done $0x0  }
0x33: {  	s18 =	sor.u32 $0x10, s5;
	s15 =	sor.u32 s24, s6;
	[sflag:s23] =	ssyncadd.s32 $0xFFFFC000  }
0x34: {  	s25 =	sor.u32 $0x20, s5;
	s19 =	sor.u32 s18, s6;
	v2 =	vld [tilespmem:s15+$0x18000]  }
0x35: {  	s28 =	sor.u32 s25, s6;
	v3 =	vld [tilespmem:s19+$0x18000]  }
0x36: {  	v1 =	vld [tilespmem:s28+$0x18000]  }
0x37: {  	s21 =	sor.u32 s5, s6  }
0x38: {  	v0 =	vld [tilespmem:s21+$0x18000]  }
0x39: {  	[tilespmem:s15+$0x0] =	vst.add.f32.msk $0xffff, v2  }
0x3a: {  	s29 =	sor.u32 $0x1000, s6;
	[tilespmem:s19+$0x0] =	vst.add.f32.msk $0xffff, v3  }
0x3b: {  	s2 =	sor.u32 s24, s29;
	[tilespmem:s28+$0x0] =	vst.add.f32.msk $0xffff, v1  }
0x3c: {  	s12 =	sor.u32 $0x2000, s6;
	s13 =	sor.u32 $0x3000, s6;
	s15 =	sor.u32 s18, s29;
	[tilespmem:s2+$0x0] =	vst.add.f32.msk $0xffff, v2  }
0x3d: {  	s8 =	sor.u32 s24, s12;
	s14 =	sor.u32 s24, s13;
	s24 =	sor.u32 s25, s29;
	[tilespmem:s15+$0x0] =	vst.add.f32.msk $0xffff, v3  }
0x3e: {  	[tilespmem:s24+$0x0] =	vst.add.f32.msk $0xffff, v1  }
0x3f: {  	s22 =	sor.u32 s18, s12;
	[tilespmem:s8+$0x0] =	vst.add.f32.msk $0xffff, v2  }
0x40: {  	s6 =	sor.u32 s5, s12;
	s12 =	sor.u32 s25, s12;
	[tilespmem:s22+$0x0] =	vst.add.f32.msk $0xffff, v3  }
0x41: {  	[tilespmem:s12+$0x0] =	vst.add.f32.msk $0xffff, v1  }
0x42: {  	s11 =	sor.u32 s5, s13;
	s23 =	sor.u32 s18, s13;
	[tilespmem:s14+$0x0] =	vst.add.f32.msk $0xffff, v2  }
0x43: {  	s18 =	sor.u32 s25, s13;
	s15 =	sor.u32 s5, s29;
	s5 =	simm.s32 $0x0;
	[tilespmem:s23+$0x0] =	vst.add.f32.msk $0xffff, v3  }
.LBB2_3:
0x44: {  	s9 =	sadd.s32 $0x40, s9;
	[tilespmem:s18+$0x0] =	vst.add.f32.msk $0xffff, v1;
	s7 =	sadd.s32 $0x10, s7;
	s5 =	sadd.s32 $0x200, s5  }
0x45: {  	s12 =	sand.u32 $0x40, s9;
	s13 =	sand.u32 $0xC00, s5;
	s18 =	sand.u32 $0x380, s7;
	[tilespmem:s21+$0x0] =	vst.add.f32.msk $0xffff, v0  }
0x46: {  	s13 =	sor.u32 s18, s13;
	s18 =	sor.u32 $0x10, s12;
	s19 =	sor.u32 $0x30, s12;
	[tilespmem:s15+$0x0] =	vst.add.f32.msk $0xffff, v0  }
0x47: {  	s28 =	sor.u32 $0x20, s12;
	s25 =	sor.u32 s18, s13;
	s29 =	sor.u32 s19, s13;
	[tilespmem:s6+$0x0] =	vst.add.f32.msk $0xffff, v0  }
0x48: {  	p0 =	slt.u32 s9, $0xFC0;
	s21 =	sor.u32 s12, s13;
	s22 =	sor.u32 s28, s13;
	v2 =	vld [tilespmem:s29+$0x18000]  }
0x49: {  	v3 =	vld [tilespmem:s25+$0x18000]  }
0x4a: {  	v1 =	vld [tilespmem:s22+$0x18000]  }
0x4b: {  	v4 =	vld [tilespmem:s21+$0x18000]  }
0x4c: {  	s23 =	sor.u32 $0x1000, s13;
	[tilespmem:s11+$0x0] =	vst.add.f32.msk $0xffff, v0  }
0x4d: {  	s14 =	sor.u32 $0x2000, s13;
	s15 =	sor.u32 s12, s23;
	s11 =	sor.u32 s19, s23;
	[tilespmem:s29+$0x0] =	vst.add.f32.msk $0xffff, v2  }
0x4e: {  	s13 =	sor.u32 $0x3000, s13;
	s6 =	sor.u32 s12, s14;
	s29 =	sor.u32 s19, s14;
	[tilespmem:s11+$0x0] =	vst.add.f32.msk $0xffff, v2  }
0x4f: {  	s19 =	sor.u32 s19, s13;
	s11 =	sor.u32 s12, s13;
	s12 =	sor.u32 s18, s23;
	[tilespmem:s29+$0x0] =	vst.add.f32.msk $0xffff, v2  }
0x50: {  	s24 =	sor.u32 s18, s13;
	s23 =	sor.u32 s28, s23;
	s29 =	sor.u32 s18, s14;
	[tilespmem:s19+$0x0] =	vst.add.f32.msk $0xffff, v2;
	v0 =	vmov v4  }
0x51: {  	s14 =	sor.u32 s28, s14;
	s18 =	sor.u32 s28, s13;
	[tilespmem:s25+$0x0] =	vst.add.f32.msk $0xffff, v3  }
0x52: {  	[tilespmem:s12+$0x0] =	vst.add.f32.msk $0xffff, v3  }
.Ltmp0:
0x53: {  	[tilespmem:s29+$0x0] =	vst.add.f32.msk $0xffff, v3;
	(pc) =	sbr.rel @p0 .LBB2_3-.Ltmp0, $4  }
0x54: {  	[tilespmem:s24+$0x0] =	vst.add.f32.msk $0xffff, v3  }
0x55: {  	[tilespmem:s22+$0x0] =	vst.add.f32.msk $0xffff, v1  }
0x56: {  	[tilespmem:s23+$0x0] =	vst.add.f32.msk $0xffff, v1  }
0x57: {  	[tilespmem:s14+$0x0] =	vst.add.f32.msk $0xffff, v1  }
0x58: {  	[tilespmem:s18+$0x0] =	vst.add.f32.msk $0xffff, v1  }
0x59: {  	[tilespmem:s21+$0x0] =	vst.add.f32.msk $0xffff, v0  }
0x5a: {  	s28 =	smul.u32 $0x18, s26;
	[tilespmem:s15+$0x0] =	vst.add.f32.msk $0xffff, v0  }
0x5b: {  	s2 =	rddreg [dreg:$0x4]  }
0x5c: {  	s5 =	sadd.s32 s2, s28  }
0x5d: {  	[tilespmem:s6+$0x0] =	vst.add.f32.msk $0xffff, v0;
	s21 =	sshll.u32 s5, $0x7  }
0x5e: {  	p0 =	seq.s32 s26, $0x0;
	[tilespmem:s11+$0x0] =	vst.add.f32.msk $0xffff, v0;
	s5 =	sadd.s32 s4, s21  }
0x5f: {  	[hbm4b:s5+s31] =	stream.strided.scatter [tilespmem:s30], [sflag:$0xD], $0x4000, s0, s31, $0x38;
	[tilespmem:$0x1E000] =	vst v63  }
0x60: {  	s5 =	simm.s32 @!p0 $0x11  }
0x61: {  	s25 =	smul.u32 $0xC00, s26;
	_ =	swait.ge @!p0 [sflag:s5], $0x4000  }
0x62: {  	s30 =	rddreg [dreg:$0xd]  }
0x63: {  	s8 =	simm.s32 $0x1C000;
	[sflag:s5] =	ssyncset.done @!p0 $0x0;
	s29 =	sadd.s32 s25, s30  }
0x64: {  	[sflag:s5] =	ssyncadd.s32 @!p0 $0xFFFFC000;
	s25 =	simm.s32 $0x0;
	s7 =	sadd.s32 s3, s29  }
0x65: {  	[tilespmem:s8], [sflag:$0xB] =	stream.linear.gather [hbm4b:s7+s25], $0x1000, $0x38;
	[tilespmem:$0x1E000] =	vst v63  }
0x66: {  	s12 =	simm.s32 $0x8;
	s11 =	simm.s32 $0x10000;
	s9 =	sadd.s32 s1, s29  }
0x67: {  	[tilespmem:s11], [sflag:$0x5] =	stream.strided.gather [hbm4b:s9+s31], $0x4000, s0, s31, $0x38;
	[tilespmem:$0x1E000] =	vst v63  }
0x68: {  	_ =	swait.ge [sflag:s12], $0x1000  }
0x69: {  	s13 =	simm.s32 $0x2;
	[sflag:s12] =	ssyncset.done $0x0  }
0x6a: {  	s14 =	sand.u32 $0xC00, s25;
	s7 =	simm.s32 $0x0;
	[sflag:s12] =	ssyncadd.s32 $0xFFFFF000  }
0x6b: {  	s5 =	sand.u32 $0x40, s7;
	s9 =	sand.u32 $0x380, s25;
	_ =	swait.ge [sflag:s13], $0x4000  }
0x6c: {  	s15 =	sor.u32 $0x30, s5;
	s6 =	sor.u32 s9, s14;
	[sflag:s13] =	ssyncset.done $0x0  }
0x6d: {  	s23 =	sor.u32 s15, s6;
	s12 =	sor.u32 $0x10, s5;
	[sflag:s13] =	ssyncadd.s32 $0xFFFFC000  }
0x6e: {  	s13 =	sor.u32 s12, s6;
	v0 =	vld [tilespmem:s23+$0x19000]  }
0x6f: {  	v2 =	vld [tilespmem:s13+$0x19000]  }
0x70: {  	s22 =	sor.u32 $0x20, s5  }
0x71: {  	s2 =	sor.u32 s22, s6  }
0x72: {  	s11 =	sor.u32 $0x4000, s23;
	v1 =	vld [tilespmem:s2+$0x19000]  }
0x73: {  	s14 =	sor.u32 $0x5000, s6;
	s8 =	sor.u32 $0x4000, s13;
	[tilespmem:s11+$0x0] =	vst.add.f32.msk $0xffff, v0  }
0x74: {  	s24 =	sor.u32 s15, s14;
	[tilespmem:s8+$0x0] =	vst.add.f32.msk $0xffff, v2  }
0x75: {  	s18 =	sor.u32 $0x6000, s6;
	s13 =	sor.u32 s12, s14;
	[tilespmem:s24+$0x0] =	vst.add.f32.msk $0xffff, v0  }
0x76: {  	s19 =	sor.u32 $0x7000, s6;
	s30 =	sor.u32 s15, s18;
	[tilespmem:s13+$0x0] =	vst.add.f32.msk $0xffff, v2  }
0x77: {  	s9 =	sor.u32 s15, s19;
	s15 =	sor.u32 s12, s18;
	[tilespmem:s30+$0x0] =	vst.add.f32.msk $0xffff, v0  }
0x78: {  	[tilespmem:s15+$0x0] =	vst.add.f32.msk $0xffff, v2  }
0x79: {  	s23 =	sor.u32 s12, s19;
	[tilespmem:s9+$0x0] =	vst.add.f32.msk $0xffff, v0  }
0x7a: {  	s6 =	sor.u32 s5, s6;
	[tilespmem:s23+$0x0] =	vst.add.f32.msk $0xffff, v2  }
0x7b: {  	s9 =	sor.u32 $0x4000, s2;
	v0 =	vld [tilespmem:s6+$0x19000]  }
0x7c: {  	s11 =	sor.u32 s5, s14;
	s24 =	sor.u32 s22, s14;
	[tilespmem:s9+$0x0] =	vst.add.f32.msk $0xffff, v1  }
0x7d: {  	s15 =	sor.u32 s5, s18;
	s5 =	sor.u32 s5, s19;
	s30 =	sor.u32 s22, s18;
	[tilespmem:s24+$0x0] =	vst.add.f32.msk $0xffff, v1  }
0x7e: {  	s18 =	sor.u32 s22, s19;
	s6 =	sor.u32 $0x4000, s6;
	s9 =	simm.s32 $0x0;
	[tilespmem:s30+$0x0] =	vst.add.f32.msk $0xffff, v1  }
.LBB2_5:
0x7f: {  	s7 =	sadd.s32 $0x40, s7;
	[tilespmem:s18+$0x0] =	vst.add.f32.msk $0xffff, v1;
	s25 =	sadd.s32 $0x10, s25;
	s9 =	sadd.s32 $0x200, s9  }
0x80: {  	s12 =	sand.u32 $0x40, s7;
	s13 =	sand.u32 $0xC00, s9;
	s14 =	sand.u32 $0x380, s25;
	[tilespmem:s6+$0x0] =	vst.add.f32.msk $0xffff, v0  }
0x81: {  	s13 =	sor.u32 s14, s13;
	s14 =	sor.u32 $0x10, s12;
	s18 =	sor.u32 $0x30, s12;
	[tilespmem:s11+$0x0] =	vst.add.f32.msk $0xffff, v0  }
0x82: {  	s19 =	sor.u32 $0x20, s12;
	s11 =	sor.u32 s14, s13;
	s22 =	sor.u32 s18, s13;
	[tilespmem:s15+$0x0] =	vst.add.f32.msk $0xffff, v0  }
0x83: {  	s15 =	sor.u32 s12, s13;
	s24 =	sor.u32 s19, s13;
	s23 =	sor.u32 $0x4000, s11;
	v2 =	vld [tilespmem:s22+$0x19000]  }
0x84: {  	p1 =	slt.u32 s7, $0xFC0;
	s6 =	sor.u32 $0x4000, s15;
	s30 =	sor.u32 $0x4000, s24;
	v3 =	vld [tilespmem:s11+$0x19000]  }
0x85: {  	v1 =	vld [tilespmem:s24+$0x19000]  }
0x86: {  	v4 =	vld [tilespmem:s15+$0x19000]  }
0x87: {  	s24 =	sor.u32 $0x5000, s13;
	s15 =	sor.u32 $0x4000, s22;
	[tilespmem:s5+$0x0] =	vst.add.f32.msk $0xffff, v0  }
0x88: {  	s11 =	sor.u32 s12, s24;
	s22 =	sor.u32 $0x6000, s13;
	s5 =	sor.u32 s18, s24;
	[tilespmem:s15+$0x0] =	vst.add.f32.msk $0xffff, v2  }
0x89: {  	s13 =	sor.u32 $0x7000, s13;
	s2 =	sor.u32 s18, s22;
	s15 =	sor.u32 s12, s22;
	[tilespmem:s5+$0x0] =	vst.add.f32.msk $0xffff, v2  }
0x8a: {  	s5 =	sor.u32 s12, s13;
	s12 =	sor.u32 s14, s24;
	[tilespmem:s2+$0x0] =	vst.add.f32.msk $0xffff, v2;
	s2 =	sor.u32 s18, s13  }
0x8b: {  	s8 =	sor.u32 s14, s22;
	s14 =	sor.u32 s14, s13;
	s24 =	sor.u32 s19, s24;
	[tilespmem:s2+$0x0] =	vst.add.f32.msk $0xffff, v2;
	v0 =	vmov v4  }
0x8c: {  	s18 =	sor.u32 s19, s13;
	s2 =	sor.u32 s19, s22;
	[tilespmem:s23+$0x0] =	vst.add.f32.msk $0xffff, v3  }
0x8d: {  	[tilespmem:s12+$0x0] =	vst.add.f32.msk $0xffff, v3  }
.Ltmp1:
0x8e: {  	[tilespmem:s8+$0x0] =	vst.add.f32.msk $0xffff, v3;
	(pc) =	sbr.rel @p1 .LBB2_5-.Ltmp1, $4  }
0x8f: {  	[tilespmem:s14+$0x0] =	vst.add.f32.msk $0xffff, v3  }
0x90: {  	[tilespmem:s30+$0x0] =	vst.add.f32.msk $0xffff, v1  }
0x91: {  	[tilespmem:s24+$0x0] =	vst.add.f32.msk $0xffff, v1  }
0x92: {  	[tilespmem:s2+$0x0] =	vst.add.f32.msk $0xffff, v1  }
0x93: {  	[tilespmem:s18+$0x0] =	vst.add.f32.msk $0xffff, v1  }
0x94: {  	[tilespmem:s6+$0x0] =	vst.add.f32.msk $0xffff, v0  }
0x95: {  	[tilespmem:s11+$0x0] =	vst.add.f32.msk $0xffff, v0  }
0x96: {  	[tilespmem:s15+$0x0] =	vst.add.f32.msk $0xffff, v0  }
0x97: {  	s2 =	sadd.s32 s21, s16;
	s8 =	simm.s32 $0x4000;
	[tilespmem:s5+$0x0] =	vst.add.f32.msk $0xffff, v0  }
0x98: {  	[hbm4b:s2+s31] =	stream.strided.scatter [tilespmem:s8], [sflag:$0xE], $0x4000, s0, s31, $0x38;
	[tilespmem:$0x1E000] =	vst v63  }
0x99: {  	s9 =	rddreg [dreg:$0xe]  }
0x9a: {  	s2 =	simm.s32 @!p0 $0x12;
	s5 =	sadd.s32 s28, s9  }
0x9b: {  	_ =	swait.ge @!p0 [sflag:s2], $0x4000;
	s5 =	sshll.u32 s5, $0x7  }
0x9c: {  	s25 =	simm.s32 $0x0;
	[sflag:s2] =	ssyncset.done @!p0 $0x0;
	s21 =	sor.u32 $0x200, s5  }
0x9d: {  	s12 =	simm.s32 $0x1D000;
	[sflag:s2] =	ssyncadd.s32 @!p0 $0xFFFFC000;
	s11 =	sadd.s32 s3, s21  }
0x9e: {  	[tilespmem:s12], [sflag:$0xC] =	stream.linear.gather [hbm4b:s11+s25], $0x1000, $0x38;
	[tilespmem:$0x1E000] =	vst v63  }
0x9f: {  	s14 =	simm.s32 $0x14000;
	s15 =	simm.s32 $0x9;
	s13 =	sadd.s32 s1, s21  }
0xa0: {  	[tilespmem:s14], [sflag:$0x6] =	stream.strided.gather [hbm4b:s13+s31], $0x4000, s0, s31, $0x38;
	[tilespmem:$0x1E000] =	vst v63  }
0xa1: {  	_ =	swait.ge [sflag:s15], $0x1000  }
0xa2: {  	s7 =	simm.s32 $0x0;
	[sflag:s15] =	ssyncset.done $0x0  }
0xa3: {  	s18 =	sand.u32 $0xC00, s25;
	s8 =	simm.s32 $0x3;
	[sflag:s15] =	ssyncadd.s32 $0xFFFFF000  }
0xa4: {  	s19 =	sand.u32 $0x380, s25;
	s2 =	sand.u32 $0x40, s7;
	_ =	swait.ge [sflag:s8], $0x4000  }
0xa5: {  	s5 =	sor.u32 s19, s18;
	s22 =	sor.u32 $0x30, s2;
	[sflag:s8] =	ssyncset.done $0x0  }
0xa6: {  	s9 =	sor.u32 $0x10, s2;
	s23 =	sor.u32 s22, s5;
	[sflag:s8] =	ssyncadd.s32 $0xFFFFC000  }
0xa7: {  	s24 =	sor.u32 s9, s5;
	v0 =	vld [tilespmem:s23+$0x1A000]  }
0xa8: {  	v2 =	vld [tilespmem:s24+$0x1A000]  }
0xa9: {  	s18 =	sor.u32 $0x20, s2  }
0xaa: {  	s19 =	sor.u32 s18, s5  }
0xab: {  	s8 =	sor.u32 $0x8000, s23;
	v1 =	vld [tilespmem:s19+$0x1A000]  }
0xac: {  	s12 =	sor.u32 $0x9000, s5;
	s11 =	sor.u32 $0x8000, s24;
	[tilespmem:s8+$0x0] =	vst.add.f32.msk $0xffff, v0  }
0xad: {  	s30 =	sor.u32 s22, s12;
	s13 =	sor.u32 $0xA000, s5;
	s14 =	sor.u32 $0xB000, s5;
	[tilespmem:s11+$0x0] =	vst.add.f32.msk $0xffff, v2  }
0xae: {  	s6 =	sor.u32 s22, s14;
	s15 =	sor.u32 s22, s13;
	s22 =	sor.u32 s9, s12;
	[tilespmem:s30+$0x0] =	vst.add.f32.msk $0xffff, v0  }
0xaf: {  	[tilespmem:s22+$0x0] =	vst.add.f32.msk $0xffff, v2  }
0xb0: {  	s23 =	sor.u32 s9, s13;
	[tilespmem:s15+$0x0] =	vst.add.f32.msk $0xffff, v0  }
0xb1: {  	[tilespmem:s23+$0x0] =	vst.add.f32.msk $0xffff, v2  }
0xb2: {  	s9 =	sor.u32 s9, s14;
	[tilespmem:s6+$0x0] =	vst.add.f32.msk $0xffff, v0  }
0xb3: {  	s5 =	sor.u32 s2, s5;
	[tilespmem:s9+$0x0] =	vst.add.f32.msk $0xffff, v2  }
0xb4: {  	s6 =	sor.u32 $0x8000, s19;
	v0 =	vld [tilespmem:s5+$0x1A000]  }
0xb5: {  	s24 =	sor.u32 s18, s12;
	s11 =	simm.s32 $0x0;
	[tilespmem:s6+$0x0] =	vst.add.f32.msk $0xffff, v1  }
0xb6: {  	s30 =	sor.u32 s18, s13;
	s18 =	sor.u32 s18, s14;
	s15 =	sor.u32 s2, s13;
	[tilespmem:s24+$0x0] =	vst.add.f32.msk $0xffff, v1  }
0xb7: {  	s9 =	sor.u32 s2, s14;
	s5 =	sor.u32 $0x8000, s5;
	s6 =	sor.u32 s2, s12;
	[tilespmem:s30+$0x0] =	vst.add.f32.msk $0xffff, v1  }
.LBB2_7:
0xb8: {  	s7 =	sadd.s32 $0x40, s7;
	[tilespmem:s18+$0x0] =	vst.add.f32.msk $0xffff, v1;
	s25 =	sadd.s32 $0x10, s25;
	s11 =	sadd.s32 $0x200, s11  }
0xb9: {  	s2 =	sand.u32 $0x40, s7;
	s8 =	sand.u32 $0xC00, s11;
	s12 =	sand.u32 $0x380, s25;
	[tilespmem:s5+$0x0] =	vst.add.f32.msk $0xffff, v0  }
0xba: {  	s8 =	sor.u32 s12, s8;
	s12 =	sor.u32 $0x10, s2;
	s13 =	sor.u32 $0x30, s2;
	[tilespmem:s6+$0x0] =	vst.add.f32.msk $0xffff, v0  }
0xbb: {  	s14 =	sor.u32 $0x20, s2;
	s6 =	sor.u32 s12, s8;
	s18 =	sor.u32 s13, s8;
	[tilespmem:s15+$0x0] =	vst.add.f32.msk $0xffff, v0  }
0xbc: {  	s15 =	sor.u32 s2, s8;
	s22 =	sor.u32 s14, s8;
	s19 =	sor.u32 $0x8000, s6;
	v2 =	vld [tilespmem:s18+$0x1A000]  }
0xbd: {  	p0 =	slt.u32 s7, $0xFC0;
	s5 =	sor.u32 $0x8000, s15;
	s23 =	sor.u32 $0x8000, s22;
	v3 =	vld [tilespmem:s6+$0x1A000]  }
0xbe: {  	v1 =	vld [tilespmem:s22+$0x1A000]  }
0xbf: {  	v4 =	vld [tilespmem:s15+$0x1A000]  }
0xc0: {  	s22 =	sor.u32 $0x9000, s8;
	s15 =	sor.u32 $0x8000, s18;
	[tilespmem:s9+$0x0] =	vst.add.f32.msk $0xffff, v0  }
0xc1: {  	s6 =	sor.u32 s2, s22;
	s18 =	sor.u32 $0xA000, s8;
	s9 =	sor.u32 s13, s22;
	[tilespmem:s15+$0x0] =	vst.add.f32.msk $0xffff, v2  }
0xc2: {  	s8 =	sor.u32 $0xB000, s8;
	s24 =	sor.u32 s13, s18;
	s15 =	sor.u32 s2, s18;
	[tilespmem:s9+$0x0] =	vst.add.f32.msk $0xffff, v2  }
0xc3: {  	s13 =	sor.u32 s13, s8;
	s9 =	sor.u32 s2, s8;
	s2 =	sor.u32 s12, s22;
	[tilespmem:s24+$0x0] =	vst.add.f32.msk $0xffff, v2  }
0xc4: {  	s22 =	sor.u32 s14, s22;
	s24 =	sor.u32 s12, s18;
	s12 =	sor.u32 s12, s8;
	[tilespmem:s13+$0x0] =	vst.add.f32.msk $0xffff, v2;
	v0 =	vmov v4  }
0xc5: {  	s13 =	sor.u32 s14, s18;
	s18 =	sor.u32 s14, s8;
	[tilespmem:s19+$0x0] =	vst.add.f32.msk $0xffff, v3  }
0xc6: {  	[tilespmem:s2+$0x0] =	vst.add.f32.msk $0xffff, v3  }
.Ltmp2:
0xc7: {  	[tilespmem:s24+$0x0] =	vst.add.f32.msk $0xffff, v3;
	(pc) =	sbr.rel @p0 .LBB2_7-.Ltmp2, $4  }
0xc8: {  	[tilespmem:s12+$0x0] =	vst.add.f32.msk $0xffff, v3  }
0xc9: {  	[tilespmem:s23+$0x0] =	vst.add.f32.msk $0xffff, v1  }
0xca: {  	[tilespmem:s22+$0x0] =	vst.add.f32.msk $0xffff, v1  }
0xcb: {  	[tilespmem:s13+$0x0] =	vst.add.f32.msk $0xffff, v1  }
0xcc: {  	[tilespmem:s18+$0x0] =	vst.add.f32.msk $0xffff, v1  }
0xcd: {  	[tilespmem:s5+$0x0] =	vst.add.f32.msk $0xffff, v0  }
0xce: {  	s25 =	smul.u32 $0x6000, s26;
	[tilespmem:s6+$0x0] =	vst.add.f32.msk $0xffff, v0  }
0xcf: {  	s2 =	rddreg [dreg:$0xf]  }
0xd0: {  	s2 =	sadd.s32 s2, s25  }
0xd1: {  	[tilespmem:s15+$0x0] =	vst.add.f32.msk $0xffff, v0;
	s2 =	sshrl.u32 s2, $0x3  }
0xd2: {  	s11 =	simm.s32 $0x8000;
	s12 =	simm.s32 $0xD;
	[tilespmem:s9+$0x0] =	vst.add.f32.msk $0xffff, v0;
	s2 =	sadd.s32 s4, s2  }
0xd3: {  	[hbm4b:s2+s31] =	stream.strided.scatter [tilespmem:s11], [sflag:$0xF], $0x4000, s0, s31, $0x38;
	[tilespmem:$0x1E000] =	vst v63  }
0xd4: {  	_ =	swait.ge [sflag:s12], $0x4000  }
0xd5: {  	s13 =	rddreg [dreg:$0x10]  }
0xd6: {  	s2 =	sadd.s32 s13, s25  }
0xd7: {  	s7 =	simm.s32 $0x0;
	[sflag:s12] =	ssyncset.done $0x0;
	s2 =	sshrl.u32 s2, $0x3  }
0xd8: {  	s15 =	simm.s32 $0x18000;
	[sflag:s12] =	ssyncadd.s32 $0xFFFFC000;
	s14 =	sadd.s32 s3, s2  }
0xd9: {  	[tilespmem:s15], [sflag:$0x7] =	stream.linear.gather [hbm4b:s14+s7], $0x1000, $0x38;
	[tilespmem:$0x1E000] =	vst v63  }
0xda: {  	s18 =	simm.s32 $0xA;
	s2 =	sadd.s32 s1, s2  }
0xdb: {  	[tilespmem:s7], [sflag:$0x1] =	stream.strided.gather [hbm4b:s2+s31], $0x4000, s0, s31, $0x38;
	[tilespmem:$0x1E000] =	vst v63  }
0xdc: {  	_ =	swait.ge [sflag:s18], $0x1000  }
0xdd: {  	s8 =	simm.s32 $0x4;
	[sflag:s18] =	ssyncset.done $0x0  }
0xde: {  	s19 =	sand.u32 $0xC00, s7;
	s9 =	simm.s32 $0x0;
	[sflag:s18] =	ssyncadd.s32 $0xFFFFF000  }
0xdf: {  	s22 =	sand.u32 $0x380, s7;
	s2 =	sand.u32 $0x40, s9;
	_ =	swait.ge [sflag:s8], $0x4000  }
0xe0: {  	s5 =	sor.u32 s22, s19;
	s23 =	sor.u32 $0x30, s2;
	[sflag:s8] =	ssyncset.done $0x0  }
0xe1: {  	s11 =	sor.u32 $0x10, s2;
	s24 =	sor.u32 s23, s5;
	[sflag:s8] =	ssyncadd.s32 $0xFFFFC000  }
0xe2: {  	s12 =	sor.u32 s11, s5;
	v0 =	vld [tilespmem:s24+$0x1B000]  }
0xe3: {  	v2 =	vld [tilespmem:s12+$0x1B000];
	_ =	sdelay $0x2  }
0xe4: {  	s8 =	sor.u32 $0xC000, s24  }
0xe5: {  	s13 =	sor.u32 $0xD000, s5;
	s12 =	sor.u32 $0xC000, s12;
	[tilespmem:s8+$0x0] =	vst.add.f32.msk $0xffff, v0  }
0xe6: {  	s30 =	sor.u32 s23, s13;
	[tilespmem:s12+$0x0] =	vst.add.f32.msk $0xffff, v2  }
0xe7: {  	s14 =	sor.u32 $0xE000, s5;
	s22 =	sor.u32 s11, s13;
	[tilespmem:s30+$0x0] =	vst.add.f32.msk $0xffff, v0  }
0xe8: {  	s15 =	sor.u32 s23, s14;
	s8 =	sor.u32 $0x20, s2;
	[tilespmem:s22+$0x0] =	vst.add.f32.msk $0xffff, v2  }
0xe9: {  	s19 =	sor.u32 $0xF000, s5;
	s18 =	sor.u32 s8, s5;
	[tilespmem:s15+$0x0] =	vst.add.f32.msk $0xffff, v0  }
0xea: {  	s6 =	sor.u32 s23, s19;
	s23 =	sor.u32 s11, s14;
	v1 =	vld [tilespmem:s18+$0x1B000]  }
0xeb: {  	[tilespmem:s23+$0x0] =	vst.add.f32.msk $0xffff, v2  }
0xec: {  	s11 =	sor.u32 s11, s19;
	[tilespmem:s6+$0x0] =	vst.add.f32.msk $0xffff, v0  }
0xed: {  	s5 =	sor.u32 s2, s5;
	[tilespmem:s11+$0x0] =	vst.add.f32.msk $0xffff, v2  }
0xee: {  	s6 =	sor.u32 $0xC000, s18;
	v0 =	vld [tilespmem:s5+$0x1B000]  }
0xef: {  	s24 =	sor.u32 s8, s13;
	s30 =	sor.u32 s8, s14;
	[tilespmem:s6+$0x0] =	vst.add.f32.msk $0xffff, v1  }
0xf0: {  	s15 =	sor.u32 s2, s13;
	s18 =	sor.u32 s2, s14;
	s11 =	sor.u32 s2, s19;
	[tilespmem:s24+$0x0] =	vst.add.f32.msk $0xffff, v1  }
0xf1: {  	s19 =	sor.u32 s8, s19;
	s6 =	sor.u32 $0xC000, s5;
	s5 =	simm.s32 $0x0;
	[tilespmem:s30+$0x0] =	vst.add.f32.msk $0xffff, v1  }
.LBB2_9:
0xf2: {  	s9 =	sadd.s32 $0x40, s9;
	[tilespmem:s19+$0x0] =	vst.add.f32.msk $0xffff, v1;
	s7 =	sadd.s32 $0x10, s7;
	s5 =	sadd.s32 $0x200, s5  }
0xf3: {  	s2 =	sand.u32 $0x40, s9;
	s8 =	sand.u32 $0xC00, s5;
	s12 =	sand.u32 $0x380, s7;
	[tilespmem:s6+$0x0] =	vst.add.f32.msk $0xffff, v0  }
0xf4: {  	s8 =	sor.u32 s12, s8;
	s12 =	sor.u32 $0x10, s2;
	s13 =	sor.u32 $0x30, s2;
	[tilespmem:s15+$0x0] =	vst.add.f32.msk $0xffff, v0  }
0xf5: {  	s19 =	sor.u32 $0x20, s2;
	s14 =	sor.u32 s12, s8;
	s15 =	sor.u32 s13, s8;
	[tilespmem:s18+$0x0] =	vst.add.f32.msk $0xffff, v0  }
0xf6: {  	s18 =	sor.u32 s2, s8;
	s23 =	sor.u32 s19, s8;
	s22 =	sor.u32 $0xC000, s14;
	v2 =	vld [tilespmem:s15+$0x1B000]  }
0xf7: {  	p0 =	slt.u32 s9, $0xFC0;
	s6 =	sor.u32 $0xC000, s18;
	v3 =	vld [tilespmem:s14+$0x1B000];
	s14 =	sor.u32 $0xC000, s23  }
0xf8: {  	v1 =	vld [tilespmem:s23+$0x1B000]  }
0xf9: {  	v4 =	vld [tilespmem:s18+$0x1B000]  }
0xfa: {  	s23 =	sor.u32 $0xD000, s8;
	s18 =	sor.u32 $0xC000, s15;
	[tilespmem:s11+$0x0] =	vst.add.f32.msk $0xffff, v0  }
0xfb: {  	s24 =	sor.u32 $0xE000, s8;
	s15 =	sor.u32 s2, s23;
	s11 =	sor.u32 s13, s23;
	[tilespmem:s18+$0x0] =	vst.add.f32.msk $0xffff, v2  }
0xfc: {  	s30 =	sor.u32 s13, s24;
	s8 =	sor.u32 $0xF000, s8;
	s18 =	sor.u32 s2, s24;
	[tilespmem:s11+$0x0] =	vst.add.f32.msk $0xffff, v2  }
0xfd: {  	s13 =	sor.u32 s13, s8;
	s11 =	sor.u32 s2, s8;
	s2 =	sor.u32 s12, s23;
	[tilespmem:s30+$0x0] =	vst.add.f32.msk $0xffff, v2  }
0xfe: {  	s23 =	sor.u32 s19, s23;
	s30 =	sor.u32 s12, s24;
	s12 =	sor.u32 s12, s8;
	[tilespmem:s13+$0x0] =	vst.add.f32.msk $0xffff, v2;
	v0 =	vmov v4  }
0xff: {  	s13 =	sor.u32 s19, s24;
	s19 =	sor.u32 s19, s8;
	[tilespmem:s22+$0x0] =	vst.add.f32.msk $0xffff, v3  }
0x100: {  	[tilespmem:s2+$0x0] =	vst.add.f32.msk $0xffff, v3  }
.Ltmp3:
0x101: {  	[tilespmem:s30+$0x0] =	vst.add.f32.msk $0xffff, v3;
	(pc) =	sbr.rel @p0 .LBB2_9-.Ltmp3, $4  }
0x102: {  	[tilespmem:s12+$0x0] =	vst.add.f32.msk $0xffff, v3  }
0x103: {  	[tilespmem:s14+$0x0] =	vst.add.f32.msk $0xffff, v1  }
0x104: {  	[tilespmem:s23+$0x0] =	vst.add.f32.msk $0xffff, v1  }
0x105: {  	[tilespmem:s13+$0x0] =	vst.add.f32.msk $0xffff, v1  }
0x106: {  	[tilespmem:s19+$0x0] =	vst.add.f32.msk $0xffff, v1  }
0x107: {  	[tilespmem:s6+$0x0] =	vst.add.f32.msk $0xffff, v0  }
0x108: {  	[tilespmem:s15+$0x0] =	vst.add.f32.msk $0xffff, v0  }
0x109: {  	s2 =	rddreg [dreg:$0x17]  }
0x10a: {  	[tilespmem:s18+$0x0] =	vst.add.f32.msk $0xffff, v0;
	s2 =	sadd.s32 s28, s2  }
0x10b: {  	[tilespmem:s11+$0x0] =	vst.add.f32.msk $0xffff, v0;
	s2 =	sshll.u32 s2, $0x7  }
0x10c: {  	s11 =	rddreg [dreg:$0x18];
	s2 =	sadd.s32 s2, s16  }
0x10d: {  	[hbm4b:s2+s31] =	stream.strided.scatter [tilespmem:s10], [sflag:$0x10], $0x4000, s0, s31, $0x38;
	[tilespmem:$0x1E000] =	vst v63  }
0x10e: {  	s5 =	simm.s32 $0xE;
	s2 =	sadd.s32 s28, s11  }
0x10f: {  	_ =	swait.ge [sflag:s5], $0x4000;
	s2 =	sshll.u32 s2, $0x7  }
0x110: {  	s7 =	simm.s32 $0x0;
	[sflag:s5] =	ssyncset.done $0x0;
	s2 =	sor.u32 $0x200, s2  }
0x111: {  	s13 =	simm.s32 $0x19000;
	[sflag:s5] =	ssyncadd.s32 $0xFFFFC000;
	s12 =	sadd.s32 s3, s2  }
0x112: {  	[tilespmem:s13], [sflag:$0x8] =	stream.linear.gather [hbm4b:s12+s7], $0x1000, $0x38;
	[tilespmem:$0x1E000] =	vst v63  }
0x113: {  	s14 =	simm.s32 $0x4000;
	s15 =	simm.s32 $0xB;
	s2 =	sadd.s32 s1, s2  }
0x114: {  	[tilespmem:s14], [sflag:$0x2] =	stream.strided.gather [hbm4b:s2+s31], $0x4000, s0, s31, $0x38;
	[tilespmem:$0x1E000] =	vst v63  }
0x115: {  	_ =	swait.ge [sflag:s15], $0x1000  }
0x116: {  	s8 =	simm.s32 $0x5;
	[sflag:s15] =	ssyncset.done $0x0  }
0x117: {  	s9 =	simm.s32 $0x0;
	s19 =	sand.u32 $0x380, s7;
	[sflag:s15] =	ssyncadd.s32 $0xFFFFF000  }
0x118: {  	s18 =	sand.u32 $0xC00, s7;
	s2 =	sand.u32 $0x40, s9;
	_ =	swait.ge [sflag:s8], $0x4000  }
0x119: {  	s5 =	sor.u32 s19, s18;
	s22 =	sor.u32 $0x30, s2;
	[sflag:s8] =	ssyncset.done $0x0  }
0x11a: {  	s24 =	sor.u32 $0x10, s2;
	s23 =	sor.u32 s22, s5;
	[sflag:s8] =	ssyncadd.s32 $0xFFFFC000  }
0x11b: {  	s12 =	sor.u32 s24, s5;
	v0 =	vld [tilespmem:s23+$0x1C000]  }
0x11c: {  	v2 =	vld [tilespmem:s12+$0x1C000];
	_ =	sdelay $0x2  }
0x11d: {  	s8 =	sor.u32 $0x10000, s23  }
0x11e: {  	s13 =	sor.u32 $0x11000, s5;
	s12 =	sor.u32 $0x10000, s12;
	[tilespmem:s8+$0x0] =	vst.add.f32.msk $0xffff, v0  }
0x11f: {  	s19 =	sor.u32 $0x13000, s5;
	s14 =	sor.u32 $0x12000, s5;
	s30 =	sor.u32 s22, s13;
	[tilespmem:s12+$0x0] =	vst.add.f32.msk $0xffff, v2  }
0x120: {  	s6 =	sor.u32 s22, s19;
	s15 =	sor.u32 s22, s14;
	s22 =	sor.u32 s24, s13;
	[tilespmem:s30+$0x0] =	vst.add.f32.msk $0xffff, v0  }
0x121: {  	s8 =	sor.u32 $0x20, s2;
	[tilespmem:s22+$0x0] =	vst.add.f32.msk $0xffff, v2  }
0x122: {  	s18 =	sor.u32 s8, s5;
	[tilespmem:s15+$0x0] =	vst.add.f32.msk $0xffff, v0  }
0x123: {  	s23 =	sor.u32 s24, s14;
	v1 =	vld [tilespmem:s18+$0x1C000]  }
0x124: {  	[tilespmem:s23+$0x0] =	vst.add.f32.msk $0xffff, v2  }
0x125: {  	s11 =	sor.u32 s24, s19;
	[tilespmem:s6+$0x0] =	vst.add.f32.msk $0xffff, v0  }
0x126: {  	s5 =	sor.u32 s2, s5;
	[tilespmem:s11+$0x0] =	vst.add.f32.msk $0xffff, v2  }
0x127: {  	s6 =	sor.u32 $0x10000, s18;
	v0 =	vld [tilespmem:s5+$0x1C000]  }
0x128: {  	s24 =	sor.u32 s8, s13;
	s30 =	sor.u32 s8, s14;
	[tilespmem:s6+$0x0] =	vst.add.f32.msk $0xffff, v1  }
0x129: {  	s15 =	sor.u32 s2, s13;
	s18 =	sor.u32 s2, s14;
	s11 =	sor.u32 s2, s19;
	[tilespmem:s24+$0x0] =	vst.add.f32.msk $0xffff, v1  }
0x12a: {  	s19 =	sor.u32 s8, s19;
	s6 =	sor.u32 $0x10000, s5;
	s5 =	simm.s32 $0x0;
	[tilespmem:s30+$0x0] =	vst.add.f32.msk $0xffff, v1  }
.LBB2_11:
0x12b: {  	s9 =	sadd.s32 $0x40, s9;
	[tilespmem:s19+$0x0] =	vst.add.f32.msk $0xffff, v1;
	s7 =	sadd.s32 $0x10, s7;
	s5 =	sadd.s32 $0x200, s5  }
0x12c: {  	s2 =	sand.u32 $0x40, s9;
	s8 =	sand.u32 $0xC00, s5;
	s12 =	sand.u32 $0x380, s7;
	[tilespmem:s6+$0x0] =	vst.add.f32.msk $0xffff, v0  }
0x12d: {  	s8 =	sor.u32 s12, s8;
	s12 =	sor.u32 $0x10, s2;
	s13 =	sor.u32 $0x30, s2;
	[tilespmem:s15+$0x0] =	vst.add.f32.msk $0xffff, v0  }
0x12e: {  	s19 =	sor.u32 $0x20, s2;
	s14 =	sor.u32 s12, s8;
	s15 =	sor.u32 s13, s8;
	[tilespmem:s18+$0x0] =	vst.add.f32.msk $0xffff, v0  }
0x12f: {  	s18 =	sor.u32 s2, s8;
	s23 =	sor.u32 s19, s8;
	s22 =	sor.u32 $0x10000, s14;
	v2 =	vld [tilespmem:s15+$0x1C000]  }
0x130: {  	p0 =	slt.u32 s9, $0xFC0;
	s6 =	sor.u32 $0x10000, s18;
	v3 =	vld [tilespmem:s14+$0x1C000];
	s14 =	sor.u32 $0x10000, s23  }
0x131: {  	v1 =	vld [tilespmem:s23+$0x1C000]  }
0x132: {  	v4 =	vld [tilespmem:s18+$0x1C000]  }
0x133: {  	s23 =	sor.u32 $0x11000, s8;
	s18 =	sor.u32 $0x10000, s15;
	[tilespmem:s11+$0x0] =	vst.add.f32.msk $0xffff, v0  }
0x134: {  	s24 =	sor.u32 $0x12000, s8;
	s15 =	sor.u32 s2, s23;
	s11 =	sor.u32 s13, s23;
	[tilespmem:s18+$0x0] =	vst.add.f32.msk $0xffff, v2  }
0x135: {  	s30 =	sor.u32 s13, s24;
	s8 =	sor.u32 $0x13000, s8;
	s18 =	sor.u32 s2, s24;
	[tilespmem:s11+$0x0] =	vst.add.f32.msk $0xffff, v2  }
0x136: {  	s13 =	sor.u32 s13, s8;
	s11 =	sor.u32 s2, s8;
	s2 =	sor.u32 s12, s23;
	[tilespmem:s30+$0x0] =	vst.add.f32.msk $0xffff, v2  }
0x137: {  	s23 =	sor.u32 s19, s23;
	s30 =	sor.u32 s12, s24;
	s12 =	sor.u32 s12, s8;
	[tilespmem:s13+$0x0] =	vst.add.f32.msk $0xffff, v2;
	v0 =	vmov v4  }
0x138: {  	s13 =	sor.u32 s19, s24;
	s19 =	sor.u32 s19, s8;
	[tilespmem:s22+$0x0] =	vst.add.f32.msk $0xffff, v3  }
0x139: {  	[tilespmem:s2+$0x0] =	vst.add.f32.msk $0xffff, v3  }
.Ltmp4:
0x13a: {  	[tilespmem:s30+$0x0] =	vst.add.f32.msk $0xffff, v3;
	(pc) =	sbr.rel @p0 .LBB2_11-.Ltmp4, $4  }
0x13b: {  	[tilespmem:s12+$0x0] =	vst.add.f32.msk $0xffff, v3  }
0x13c: {  	[tilespmem:s14+$0x0] =	vst.add.f32.msk $0xffff, v1  }
0x13d: {  	[tilespmem:s23+$0x0] =	vst.add.f32.msk $0xffff, v1  }
0x13e: {  	[tilespmem:s13+$0x0] =	vst.add.f32.msk $0xffff, v1  }
0x13f: {  	[tilespmem:s19+$0x0] =	vst.add.f32.msk $0xffff, v1  }
0x140: {  	[tilespmem:s6+$0x0] =	vst.add.f32.msk $0xffff, v0  }
0x141: {  	[tilespmem:s15+$0x0] =	vst.add.f32.msk $0xffff, v0  }
0x142: {  	[tilespmem:s18+$0x0] =	vst.add.f32.msk $0xffff, v0  }
0x143: {  	s2 =	sadd.s32 s4, s29;
	s5 =	simm.s32 $0x10000;
	[tilespmem:s11+$0x0] =	vst.add.f32.msk $0xffff, v0  }
0x144: {  	[hbm4b:s2+s31] =	stream.strided.scatter [tilespmem:s5], [sflag:$0x11], $0x4000, s0, s31, $0x38;
	[tilespmem:$0x1E000] =	vst v63  }
0x145: {  	_ =	swait.ge [sflag:s17], $0x4000  }
0x146: {  	s14 =	rddreg [dreg:$0x11]  }
0x147: {  	s2 =	sadd.s32 s14, s25  }
0x148: {  	s7 =	simm.s32 $0x0;
	[sflag:s17] =	ssyncset.done $0x0;
	s2 =	sshrl.u32 s2, $0x3  }
0x149: {  	s18 =	simm.s32 $0x1A000;
	[sflag:s17] =	ssyncadd.s32 $0xFFFFC000;
	s15 =	sadd.s32 s3, s2  }
0x14a: {  	[tilespmem:s18], [sflag:$0x9] =	stream.linear.gather [hbm4b:s15+s7], $0x1000, $0x38;
	[tilespmem:$0x1E000] =	vst v63  }
0x14b: {  	s19 =	simm.s32 $0x8000;
	s22 =	simm.s32 $0xC;
	s2 =	sadd.s32 s1, s2  }
0x14c: {  	[tilespmem:s19], [sflag:$0x3] =	stream.strided.gather [hbm4b:s2+s31], $0x4000, s0, s31, $0x38;
	[tilespmem:$0x1E000] =	vst v63  }
0x14d: {  	_ =	swait.ge [sflag:s22], $0x1000  }
0x14e: {  	s8 =	simm.s32 $0x6;
	[sflag:s22] =	ssyncset.done $0x0  }
0x14f: {  	s9 =	simm.s32 $0x0;
	s23 =	sand.u32 $0xC00, s7;
	[sflag:s22] =	ssyncadd.s32 $0xFFFFF000  }
0x150: {  	s24 =	sand.u32 $0x380, s7;
	s2 =	sand.u32 $0x40, s9;
	_ =	swait.ge [sflag:s8], $0x4000  }
0x151: {  	s5 =	sor.u32 s24, s23;
	s25 =	sor.u32 $0x30, s2;
	[sflag:s8] =	ssyncset.done $0x0  }
0x152: {  	s30 =	sor.u32 $0x10, s2;
	s29 =	sor.u32 s25, s5;
	[sflag:s8] =	ssyncadd.s32 $0xFFFFC000  }
0x153: {  	s12 =	sor.u32 s30, s5;
	v0 =	vld [tilespmem:s29+$0x1D000]  }
0x154: {  	v2 =	vld [tilespmem:s12+$0x1D000]  }
0x155: {  	s22 =	sor.u32 $0x20, s2  }
0x156: {  	s23 =	sor.u32 s22, s5  }
0x157: {  	s8 =	sor.u32 $0x14000, s29;
	v1 =	vld [tilespmem:s23+$0x1D000]  }
0x158: {  	s13 =	sor.u32 $0x15000, s5;
	s12 =	sor.u32 $0x14000, s12;
	[tilespmem:s8+$0x0] =	vst.add.f32.msk $0xffff, v0  }
0x159: {  	s15 =	sor.u32 s25, s13;
	[tilespmem:s12+$0x0] =	vst.add.f32.msk $0xffff, v2  }
0x15a: {  	s14 =	sor.u32 $0x16000, s5;
	s24 =	sor.u32 s30, s13;
	[tilespmem:s15+$0x0] =	vst.add.f32.msk $0xffff, v0  }
0x15b: {  	s19 =	sor.u32 $0x17000, s5;
	s18 =	sor.u32 s25, s14;
	[tilespmem:s24+$0x0] =	vst.add.f32.msk $0xffff, v2  }
0x15c: {  	s6 =	sor.u32 s25, s19;
	s25 =	sor.u32 s30, s14;
	[tilespmem:s18+$0x0] =	vst.add.f32.msk $0xffff, v0  }
0x15d: {  	[tilespmem:s25+$0x0] =	vst.add.f32.msk $0xffff, v2  }
0x15e: {  	s11 =	sor.u32 s30, s19;
	[tilespmem:s6+$0x0] =	vst.add.f32.msk $0xffff, v0  }
0x15f: {  	s5 =	sor.u32 s2, s5;
	[tilespmem:s11+$0x0] =	vst.add.f32.msk $0xffff, v2  }
0x160: {  	s6 =	sor.u32 $0x14000, s23;
	v0 =	vld [tilespmem:s5+$0x1D000]  }
0x161: {  	s30 =	sor.u32 s22, s14;
	s29 =	sor.u32 s22, s13;
	[tilespmem:s6+$0x0] =	vst.add.f32.msk $0xffff, v1  }
0x162: {  	s15 =	sor.u32 s2, s13;
	s18 =	sor.u32 s2, s14;
	s11 =	sor.u32 s2, s19;
	[tilespmem:s29+$0x0] =	vst.add.f32.msk $0xffff, v1  }
0x163: {  	s19 =	sor.u32 s22, s19;
	s6 =	sor.u32 $0x14000, s5;
	s5 =	simm.s32 $0x0;
	[tilespmem:s30+$0x0] =	vst.add.f32.msk $0xffff, v1  }
.LBB2_13:
0x164: {  	s9 =	sadd.s32 $0x40, s9;
	[tilespmem:s19+$0x0] =	vst.add.f32.msk $0xffff, v1;
	s7 =	sadd.s32 $0x10, s7;
	s5 =	sadd.s32 $0x200, s5  }
0x165: {  	s2 =	sand.u32 $0x40, s9;
	s8 =	sand.u32 $0xC00, s5;
	s12 =	sand.u32 $0x380, s7;
	[tilespmem:s6+$0x0] =	vst.add.f32.msk $0xffff, v0  }
0x166: {  	s8 =	sor.u32 s12, s8;
	s12 =	sor.u32 $0x10, s2;
	s13 =	sor.u32 $0x30, s2;
	[tilespmem:s15+$0x0] =	vst.add.f32.msk $0xffff, v0  }
0x167: {  	s19 =	sor.u32 $0x20, s2;
	s14 =	sor.u32 s12, s8;
	s15 =	sor.u32 s13, s8;
	[tilespmem:s18+$0x0] =	vst.add.f32.msk $0xffff, v0  }
0x168: {  	s18 =	sor.u32 s2, s8;
	s23 =	sor.u32 s19, s8;
	s22 =	sor.u32 $0x14000, s14;
	v2 =	vld [tilespmem:s15+$0x1D000]  }
0x169: {  	p0 =	slt.u32 s9, $0xFC0;
	s6 =	sor.u32 $0x14000, s18;
	v3 =	vld [tilespmem:s14+$0x1D000];
	s14 =	sor.u32 $0x14000, s23  }
0x16a: {  	v1 =	vld [tilespmem:s23+$0x1D000]  }
0x16b: {  	v4 =	vld [tilespmem:s18+$0x1D000]  }
0x16c: {  	s23 =	sor.u32 $0x15000, s8;
	s18 =	sor.u32 $0x14000, s15;
	[tilespmem:s11+$0x0] =	vst.add.f32.msk $0xffff, v0  }
0x16d: {  	s24 =	sor.u32 $0x16000, s8;
	s15 =	sor.u32 s2, s23;
	s11 =	sor.u32 s13, s23;
	[tilespmem:s18+$0x0] =	vst.add.f32.msk $0xffff, v2  }
0x16e: {  	s25 =	sor.u32 s13, s24;
	s8 =	sor.u32 $0x17000, s8;
	s18 =	sor.u32 s2, s24;
	[tilespmem:s11+$0x0] =	vst.add.f32.msk $0xffff, v2  }
0x16f: {  	s13 =	sor.u32 s13, s8;
	s11 =	sor.u32 s2, s8;
	s2 =	sor.u32 s12, s23;
	[tilespmem:s25+$0x0] =	vst.add.f32.msk $0xffff, v2  }
0x170: {  	s23 =	sor.u32 s19, s23;
	s25 =	sor.u32 s12, s24;
	s12 =	sor.u32 s12, s8;
	[tilespmem:s13+$0x0] =	vst.add.f32.msk $0xffff, v2;
	v0 =	vmov v4  }
0x171: {  	s13 =	sor.u32 s19, s24;
	s19 =	sor.u32 s19, s8;
	[tilespmem:s22+$0x0] =	vst.add.f32.msk $0xffff, v3  }
0x172: {  	[tilespmem:s2+$0x0] =	vst.add.f32.msk $0xffff, v3  }
.Ltmp5:
0x173: {  	[tilespmem:s25+$0x0] =	vst.add.f32.msk $0xffff, v3;
	(pc) =	sbr.rel @p0 .LBB2_13-.Ltmp5, $4  }
0x174: {  	[tilespmem:s12+$0x0] =	vst.add.f32.msk $0xffff, v3  }
0x175: {  	[tilespmem:s14+$0x0] =	vst.add.f32.msk $0xffff, v1  }
0x176: {  	[tilespmem:s23+$0x0] =	vst.add.f32.msk $0xffff, v1  }
0x177: {  	[tilespmem:s13+$0x0] =	vst.add.f32.msk $0xffff, v1  }
0x178: {  	[tilespmem:s19+$0x0] =	vst.add.f32.msk $0xffff, v1  }
0x179: {  	[tilespmem:s6+$0x0] =	vst.add.f32.msk $0xffff, v0  }
0x17a: {  	[tilespmem:s15+$0x0] =	vst.add.f32.msk $0xffff, v0  }
0x17b: {  	[tilespmem:s18+$0x0] =	vst.add.f32.msk $0xffff, v0  }
0x17c: {  	s2 =	sadd.s32 s4, s21;
	s5 =	simm.s32 $0x14000;
	[tilespmem:s11+$0x0] =	vst.add.f32.msk $0xffff, v0  }
0x17d: {  	[hbm4b:s2+s31] =	stream.strided.scatter [tilespmem:s5], [sflag:$0x12], $0x4000, s0, s31, $0x38;
	[tilespmem:$0x1E000] =	vst v63  }
0x17e: {  	s25 =	rddreg [dreg:$0x19]  }
0x17f: {  	s30 =	simm.s32 $0x0;
	s26 =	sadd.s32 $0x1, s26;
	s2 =	sadd.s32 s28, s25  }
0x180: {  	p0 =	sne.s32 s26, $0xA;
	_ =	swait.ge [sflag:s20], $0x4000;
	s2 =	sshll.u32 s2, $0x7  }
.Ltmp6:
0x181: {  	[sflag:s20] =	ssyncset.done $0x0;
	s2 =	sor.u32 $0x200, s2;
	(pc) =	sbr.rel @p0 .LBB2_2-.Ltmp6, $4  }
0x182: {  	s29 =	simm.s32 $0x1B000;
	[sflag:s20] =	ssyncadd.s32 $0xFFFFC000;
	s28 =	sadd.s32 s3, s2  }
0x183: {  	[tilespmem:s29], [sflag:$0xA] =	stream.linear.gather [hbm4b:s28+s30], $0x1000, $0x38;
	[tilespmem:$0x1E000] =	vst v63  }
0x184: {  	s25 =	simm.s32 $0xC000;
	s2 =	sadd.s32 s1, s2  }
0x185: {  	[tilespmem:s25], [sflag:$0x4] =	stream.strided.gather [hbm4b:s2+s31], $0x4000, s0, s31, $0x38;
	[tilespmem:$0x1E000] =	vst v63  }
0x186: {  	s2 =	simm.s32 $0x7  }
0x187: {  	_ =	swait.ge [sflag:s2], $0x1000  }
0x188: {  	s8 =	simm.s32 $0x1;
	s7 =	simm.s32 $0x0;
	[sflag:s2] =	ssyncset.done $0x0  }
0x189: {  	s9 =	simm.s32 $0x0;
	s5 =	sand.u32 $0xC00, s7;
	[sflag:s2] =	ssyncadd.s32 $0xFFFFF000  }
0x18a: {  	s6 =	sand.u32 $0x380, s7;
	s2 =	sand.u32 $0x40, s9;
	_ =	swait.ge [sflag:s8], $0x4000  }
0x18b: {  	s5 =	sor.u32 s6, s5;
	s28 =	sor.u32 $0x30, s2;
	[sflag:s8] =	ssyncset.done $0x0  }
0x18c: {  	s11 =	sor.u32 $0x10, s2;
	s29 =	sor.u32 s28, s5;
	[sflag:s8] =	ssyncadd.s32 $0xFFFFC000  }
0x18d: {  	s13 =	sor.u32 $0x20, s2;
	s12 =	sor.u32 s11, s5;
	v2 =	vld [tilespmem:s29+$0x18000]  }
0x18e: {  	s14 =	sor.u32 s13, s5;
	v3 =	vld [tilespmem:s12+$0x18000]  }
0x18f: {  	v1 =	vld [tilespmem:s14+$0x18000]  }
0x190: {  	s21 =	sor.u32 s2, s5  }
0x191: {  	v0 =	vld [tilespmem:s21+$0x18000]  }
0x192: {  	[tilespmem:s29+$0x0] =	vst.add.f32.msk $0xffff, v2  }
0x193: {  	s15 =	sor.u32 $0x1000, s5;
	[tilespmem:s12+$0x0] =	vst.add.f32.msk $0xffff, v3  }
0x194: {  	s19 =	sor.u32 s28, s15;
	[tilespmem:s14+$0x0] =	vst.add.f32.msk $0xffff, v1  }
0x195: {  	s18 =	sor.u32 $0x2000, s5;
	s5 =	sor.u32 $0x3000, s5;
	s23 =	sor.u32 s11, s15;
	[tilespmem:s19+$0x0] =	vst.add.f32.msk $0xffff, v2  }
0x196: {  	s22 =	sor.u32 s28, s18;
	s6 =	sor.u32 s28, s5;
	s28 =	sor.u32 s13, s15;
	[tilespmem:s23+$0x0] =	vst.add.f32.msk $0xffff, v3  }
0x197: {  	[tilespmem:s28+$0x0] =	vst.add.f32.msk $0xffff, v1  }
0x198: {  	s24 =	sor.u32 s11, s18;
	[tilespmem:s22+$0x0] =	vst.add.f32.msk $0xffff, v2  }
0x199: {  	s29 =	sor.u32 s13, s18;
	[tilespmem:s24+$0x0] =	vst.add.f32.msk $0xffff, v3  }
0x19a: {  	[tilespmem:s29+$0x0] =	vst.add.f32.msk $0xffff, v1  }
0x19b: {  	s26 =	sor.u32 s11, s5;
	s11 =	sor.u32 s2, s5;
	[tilespmem:s6+$0x0] =	vst.add.f32.msk $0xffff, v2;
	s6 =	sor.u32 s2, s15  }
0x19c: {  	[tilespmem:s26+$0x0] =	vst.add.f32.msk $0xffff, v3;
	s15 =	sor.u32 s2, s18;
	s18 =	sor.u32 s13, s5;
	s5 =	simm.s32 $0x0  }
.LBB2_16:
0x19d: {  	s9 =	sadd.s32 $0x40, s9;
	[tilespmem:s18+$0x0] =	vst.add.f32.msk $0xffff, v1;
	s7 =	sadd.s32 $0x10, s7;
	s5 =	sadd.s32 $0x200, s5  }
0x19e: {  	s2 =	sand.u32 $0x40, s9;
	s8 =	sand.u32 $0xC00, s5;
	s12 =	sand.u32 $0x380, s7;
	[tilespmem:s21+$0x0] =	vst.add.f32.msk $0xffff, v0  }
0x19f: {  	s8 =	sor.u32 s12, s8;
	s12 =	sor.u32 $0x10, s2;
	s13 =	sor.u32 $0x30, s2;
	[tilespmem:s6+$0x0] =	vst.add.f32.msk $0xffff, v0  }
0x1a0: {  	s18 =	sor.u32 $0x20, s2;
	s14 =	sor.u32 s12, s8;
	s19 =	sor.u32 s13, s8;
	[tilespmem:s15+$0x0] =	vst.add.f32.msk $0xffff, v0  }
0x1a1: {  	p0 =	slt.u32 s9, $0xFC0;
	s21 =	sor.u32 s2, s8;
	s22 =	sor.u32 s18, s8;
	v2 =	vld [tilespmem:s19+$0x18000]  }
0x1a2: {  	v3 =	vld [tilespmem:s14+$0x18000]  }
0x1a3: {  	v1 =	vld [tilespmem:s22+$0x18000]  }
0x1a4: {  	v4 =	vld [tilespmem:s21+$0x18000]  }
0x1a5: {  	s23 =	sor.u32 $0x1000, s8;
	[tilespmem:s11+$0x0] =	vst.add.f32.msk $0xffff, v0  }
0x1a6: {  	s24 =	sor.u32 $0x2000, s8;
	s6 =	sor.u32 s2, s23;
	s11 =	sor.u32 s13, s23;
	[tilespmem:s19+$0x0] =	vst.add.f32.msk $0xffff, v2  }
0x1a7: {  	s8 =	sor.u32 $0x3000, s8;
	s15 =	sor.u32 s2, s24;
	s19 =	sor.u32 s13, s24;
	[tilespmem:s11+$0x0] =	vst.add.f32.msk $0xffff, v2  }
0x1a8: {  	s13 =	sor.u32 s13, s8;
	s11 =	sor.u32 s2, s8;
	s2 =	sor.u32 s12, s23;
	[tilespmem:s19+$0x0] =	vst.add.f32.msk $0xffff, v2  }
0x1a9: {  	s23 =	sor.u32 s18, s23;
	s19 =	sor.u32 s12, s24;
	s12 =	sor.u32 s12, s8;
	[tilespmem:s13+$0x0] =	vst.add.f32.msk $0xffff, v2;
	v0 =	vmov v4  }
0x1aa: {  	s13 =	sor.u32 s18, s24;
	s18 =	sor.u32 s18, s8;
	[tilespmem:s14+$0x0] =	vst.add.f32.msk $0xffff, v3  }
0x1ab: {  	[tilespmem:s2+$0x0] =	vst.add.f32.msk $0xffff, v3  }
.Ltmp7:
0x1ac: {  	[tilespmem:s19+$0x0] =	vst.add.f32.msk $0xffff, v3;
	(pc) =	sbr.rel @p0 .LBB2_16-.Ltmp7, $4  }
0x1ad: {  	[tilespmem:s12+$0x0] =	vst.add.f32.msk $0xffff, v3  }
0x1ae: {  	[tilespmem:s22+$0x0] =	vst.add.f32.msk $0xffff, v1  }
0x1af: {  	[tilespmem:s23+$0x0] =	vst.add.f32.msk $0xffff, v1  }
0x1b0: {  	[tilespmem:s13+$0x0] =	vst.add.f32.msk $0xffff, v1  }
0x1b1: {  	[tilespmem:s18+$0x0] =	vst.add.f32.msk $0xffff, v1  }
0x1b2: {  	[tilespmem:s21+$0x0] =	vst.add.f32.msk $0xffff, v0  }
0x1b3: {  	[tilespmem:s6+$0x0] =	vst.add.f32.msk $0xffff, v0  }
0x1b4: {  	[tilespmem:s15+$0x0] =	vst.add.f32.msk $0xffff, v0  }
0x1b5: {  	[tilespmem:s11+$0x0] =	vst.add.f32.msk $0xffff, v0  }
0x1b6: {  	s21 =	simm.s32 $0x0;
	s18 =	simm.s32 $0x11;
	s2 =	rddreg [dreg:$0x12]  }
0x1b7: {  	[hbm4b:s2+s31] =	stream.strided.scatter [tilespmem:s21], [sflag:$0xD], $0x4000, s0, s31, $0x38;
	[tilespmem:$0x1E000] =	vst v63  }
0x1b8: {  	_ =	swait.ge [sflag:s18], $0x4000  }
0x1b9: {  	[sflag:s18] =	ssyncset.done $0x0  }
0x1ba: {  	s19 =	simm.s32 $0x8;
	[sflag:s18] =	ssyncadd.s32 $0xFFFFC000  }
0x1bb: {  	_ =	swait.ge [sflag:s19], $0x1000  }
0x1bc: {  	s8 =	simm.s32 $0x2;
	[sflag:s19] =	ssyncset.done $0x0  }
0x1bd: {  	s7 =	simm.s32 $0x0;
	s5 =	sand.u32 $0xC00, s21;
	[sflag:s19] =	ssyncadd.s32 $0xFFFFF000  }
0x1be: {  	s22 =	sand.u32 $0x380, s21;
	s2 =	sand.u32 $0x40, s7;
	_ =	swait.ge [sflag:s8], $0x4000  }
0x1bf: {  	s5 =	sor.u32 s22, s5;
	s23 =	sor.u32 $0x30, s2;
	[sflag:s8] =	ssyncset.done $0x0  }
0x1c0: {  	s9 =	sor.u32 $0x10, s2;
	s24 =	sor.u32 s23, s5;
	[sflag:s8] =	ssyncadd.s32 $0xFFFFC000  }
0x1c1: {  	s12 =	sor.u32 $0x20, s2;
	s26 =	sor.u32 s9, s5;
	v2 =	vld [tilespmem:s24+$0x19000]  }
0x1c2: {  	s13 =	sor.u32 s12, s5;
	v3 =	vld [tilespmem:s26+$0x19000]  }
0x1c3: {  	v1 =	vld [tilespmem:s13+$0x19000]  }
0x1c4: {  	s14 =	sor.u32 s2, s5  }
0x1c5: {  	s8 =	sor.u32 $0x4000, s24;
	v0 =	vld [tilespmem:s14+$0x19000]  }
0x1c6: {  	s19 =	sor.u32 $0x4000, s26;
	[tilespmem:s8+$0x0] =	vst.add.f32.msk $0xffff, v2  }
0x1c7: {  	s15 =	sor.u32 $0x5000, s5;
	s26 =	sor.u32 $0x4000, s13;
	[tilespmem:s19+$0x0] =	vst.add.f32.msk $0xffff, v3  }
0x1c8: {  	s28 =	sor.u32 s23, s15;
	[tilespmem:s26+$0x0] =	vst.add.f32.msk $0xffff, v1  }
0x1c9: {  	s22 =	sor.u32 s9, s15;
	s18 =	sor.u32 $0x6000, s5;
	[tilespmem:s28+$0x0] =	vst.add.f32.msk $0xffff, v2  }
0x1ca: {  	s5 =	sor.u32 $0x7000, s5;
	s29 =	sor.u32 s23, s18;
	[tilespmem:s22+$0x0] =	vst.add.f32.msk $0xffff, v3  }
0x1cb: {  	s6 =	sor.u32 s23, s5;
	s23 =	sor.u32 s9, s18;
	[tilespmem:s29+$0x0] =	vst.add.f32.msk $0xffff, v2  }
0x1cc: {  	s28 =	sor.u32 s12, s15;
	[tilespmem:s23+$0x0] =	vst.add.f32.msk $0xffff, v3  }
0x1cd: {  	[tilespmem:s28+$0x0] =	vst.add.f32.msk $0xffff, v1  }
0x1ce: {  	s11 =	sor.u32 $0x4000, s14;
	s24 =	sor.u32 s9, s5;
	[tilespmem:s6+$0x0] =	vst.add.f32.msk $0xffff, v2  }
0x1cf: {  	s9 =	sor.u32 s2, s5;
	s29 =	sor.u32 s12, s18;
	[tilespmem:s24+$0x0] =	vst.add.f32.msk $0xffff, v3;
	s6 =	sor.u32 s2, s15  }
0x1d0: {  	s15 =	sor.u32 s2, s18;
	s18 =	sor.u32 s12, s5;
	[tilespmem:s29+$0x0] =	vst.add.f32.msk $0xffff, v1;
	s5 =	simm.s32 $0x0  }
.LBB2_18:
0x1d1: {  	s7 =	sadd.s32 $0x40, s7;
	[tilespmem:s18+$0x0] =	vst.add.f32.msk $0xffff, v1;
	s21 =	sadd.s32 $0x10, s21;
	s5 =	sadd.s32 $0x200, s5  }
0x1d2: {  	s2 =	sand.u32 $0x40, s7;
	s8 =	sand.u32 $0xC00, s5;
	s12 =	sand.u32 $0x380, s21;
	[tilespmem:s11+$0x0] =	vst.add.f32.msk $0xffff, v0  }
0x1d3: {  	s8 =	sor.u32 s12, s8;
	s12 =	sor.u32 $0x10, s2;
	s13 =	sor.u32 $0x30, s2;
	[tilespmem:s6+$0x0] =	vst.add.f32.msk $0xffff, v0  }
0x1d4: {  	s14 =	sor.u32 $0x20, s2;
	s6 =	sor.u32 s12, s8;
	s18 =	sor.u32 s13, s8;
	[tilespmem:s15+$0x0] =	vst.add.f32.msk $0xffff, v0  }
0x1d5: {  	s15 =	sor.u32 s2, s8;
	s22 =	sor.u32 s14, s8;
	s19 =	sor.u32 $0x4000, s6;
	v2 =	vld [tilespmem:s18+$0x19000]  }
0x1d6: {  	p0 =	slt.u32 s7, $0xFC0;
	s11 =	sor.u32 $0x4000, s15;
	s23 =	sor.u32 $0x4000, s22;
	v3 =	vld [tilespmem:s6+$0x19000]  }
0x1d7: {  	v1 =	vld [tilespmem:s22+$0x19000]  }
0x1d8: {  	v4 =	vld [tilespmem:s15+$0x19000]  }
0x1d9: {  	s22 =	sor.u32 $0x5000, s8;
	s15 =	sor.u32 $0x4000, s18;
	[tilespmem:s9+$0x0] =	vst.add.f32.msk $0xffff, v0  }
0x1da: {  	s6 =	sor.u32 s2, s22;
	s18 =	sor.u32 $0x6000, s8;
	s9 =	sor.u32 s13, s22;
	[tilespmem:s15+$0x0] =	vst.add.f32.msk $0xffff, v2  }
0x1db: {  	s8 =	sor.u32 $0x7000, s8;
	s24 =	sor.u32 s13, s18;
	s15 =	sor.u32 s2, s18;
	[tilespmem:s9+$0x0] =	vst.add.f32.msk $0xffff, v2  }
0x1dc: {  	s13 =	sor.u32 s13, s8;
	s9 =	sor.u32 s2, s8;
	s2 =	sor.u32 s12, s22;
	[tilespmem:s24+$0x0] =	vst.add.f32.msk $0xffff, v2  }
0x1dd: {  	s22 =	sor.u32 s14, s22;
	s24 =	sor.u32 s12, s18;
	s12 =	sor.u32 s12, s8;
	[tilespmem:s13+$0x0] =	vst.add.f32.msk $0xffff, v2;
	v0 =	vmov v4  }
0x1de: {  	s13 =	sor.u32 s14, s18;
	s18 =	sor.u32 s14, s8;
	[tilespmem:s19+$0x0] =	vst.add.f32.msk $0xffff, v3  }
0x1df: {  	[tilespmem:s2+$0x0] =	vst.add.f32.msk $0xffff, v3  }
.Ltmp8:
0x1e0: {  	[tilespmem:s24+$0x0] =	vst.add.f32.msk $0xffff, v3;
	(pc) =	sbr.rel @p0 .LBB2_18-.Ltmp8, $4  }
0x1e1: {  	[tilespmem:s12+$0x0] =	vst.add.f32.msk $0xffff, v3  }
0x1e2: {  	[tilespmem:s23+$0x0] =	vst.add.f32.msk $0xffff, v1  }
0x1e3: {  	[tilespmem:s22+$0x0] =	vst.add.f32.msk $0xffff, v1  }
0x1e4: {  	[tilespmem:s13+$0x0] =	vst.add.f32.msk $0xffff, v1  }
0x1e5: {  	[tilespmem:s18+$0x0] =	vst.add.f32.msk $0xffff, v1  }
0x1e6: {  	[tilespmem:s11+$0x0] =	vst.add.f32.msk $0xffff, v0  }
0x1e7: {  	[tilespmem:s6+$0x0] =	vst.add.f32.msk $0xffff, v0  }
0x1e8: {  	[tilespmem:s15+$0x0] =	vst.add.f32.msk $0xffff, v0  }
0x1e9: {  	[tilespmem:s9+$0x0] =	vst.add.f32.msk $0xffff, v0  }
0x1ea: {  	s5 =	simm.s32 $0x4000;
	s18 =	simm.s32 $0x12;
	s2 =	rddreg [dreg:$0x13]  }
0x1eb: {  	[hbm4b:s2+s31] =	stream.strided.scatter [tilespmem:s5], [sflag:$0xE], $0x4000, s0, s31, $0x38;
	[tilespmem:$0x1E000] =	vst v63  }
0x1ec: {  	_ =	swait.ge [sflag:s18], $0x4000  }
0x1ed: {  	[sflag:s18] =	ssyncset.done $0x0  }
0x1ee: {  	s19 =	simm.s32 $0x9;
	[sflag:s18] =	ssyncadd.s32 $0xFFFFC000  }
0x1ef: {  	_ =	swait.ge [sflag:s19], $0x1000  }
0x1f0: {  	s8 =	simm.s32 $0x3;
	s7 =	simm.s32 $0x0;
	[sflag:s19] =	ssyncset.done $0x0  }
0x1f1: {  	s21 =	sand.u32 $0xC00, s7;
	s9 =	simm.s32 $0x0;
	[sflag:s19] =	ssyncadd.s32 $0xFFFFF000  }
0x1f2: {  	s22 =	sand.u32 $0x380, s7;
	s2 =	sand.u32 $0x40, s9;
	_ =	swait.ge [sflag:s8], $0x4000  }
0x1f3: {  	s5 =	sor.u32 s22, s21;
	s23 =	sor.u32 $0x30, s2;
	[sflag:s8] =	ssyncset.done $0x0  }
0x1f4: {  	s26 =	sor.u32 $0x10, s2;
	s24 =	sor.u32 s23, s5;
	[sflag:s8] =	ssyncadd.s32 $0xFFFFC000  }
0x1f5: {  	s13 =	sor.u32 $0x20, s2;
	s12 =	sor.u32 s26, s5;
	v2 =	vld [tilespmem:s24+$0x1A000]  }
0x1f6: {  	s14 =	sor.u32 s13, s5;
	v3 =	vld [tilespmem:s12+$0x1A000]  }
0x1f7: {  	s18 =	sor.u32 $0x9000, s5;
	v1 =	vld [tilespmem:s14+$0x1A000]  }
0x1f8: {  	s15 =	sor.u32 s2, s5;
	s21 =	sor.u32 $0x8000, s12;
	s28 =	sor.u32 s23, s18  }
0x1f9: {  	s19 =	sor.u32 $0xA000, s5;
	s5 =	sor.u32 $0xB000, s5;
	s8 =	sor.u32 $0x8000, s24;
	v0 =	vld [tilespmem:s15+$0x1A000]  }
0x1fa: {  	s22 =	sor.u32 s26, s18;
	s29 =	sor.u32 s23, s19;
	s6 =	sor.u32 s23, s5;
	[tilespmem:s8+$0x0] =	vst.add.f32.msk $0xffff, v2  }
0x1fb: {  	s23 =	sor.u32 s26, s19;
	s24 =	sor.u32 s26, s5;
	s26 =	sor.u32 $0x8000, s14;
	[tilespmem:s21+$0x0] =	vst.add.f32.msk $0xffff, v3  }
0x1fc: {  	[tilespmem:s26+$0x0] =	vst.add.f32.msk $0xffff, v1  }
0x1fd: {  	[tilespmem:s28+$0x0] =	vst.add.f32.msk $0xffff, v2  }
0x1fe: {  	[tilespmem:s22+$0x0] =	vst.add.f32.msk $0xffff, v3  }
0x1ff: {  	[tilespmem:s29+$0x0] =	vst.add.f32.msk $0xffff, v2  }
0x200: {  	s28 =	sor.u32 s13, s18;
	[tilespmem:s23+$0x0] =	vst.add.f32.msk $0xffff, v3  }
0x201: {  	[tilespmem:s28+$0x0] =	vst.add.f32.msk $0xffff, v1  }
0x202: {  	s11 =	sor.u32 s2, s5;
	[tilespmem:s6+$0x0] =	vst.add.f32.msk $0xffff, v2  }
0x203: {  	s21 =	sor.u32 $0x8000, s15;
	s15 =	sor.u32 s2, s19;
	s29 =	sor.u32 s13, s19;
	[tilespmem:s24+$0x0] =	vst.add.f32.msk $0xffff, v3  }
0x204: {  	s6 =	sor.u32 s2, s18;
	s18 =	sor.u32 s13, s5;
	[tilespmem:s29+$0x0] =	vst.add.f32.msk $0xffff, v1;
	s5 =	simm.s32 $0x0  }
.LBB2_20:
0x205: {  	s9 =	sadd.s32 $0x40, s9;
	[tilespmem:s18+$0x0] =	vst.add.f32.msk $0xffff, v1;
	s7 =	sadd.s32 $0x10, s7;
	s5 =	sadd.s32 $0x200, s5  }
0x206: {  	s2 =	sand.u32 $0x40, s9;
	s8 =	sand.u32 $0xC00, s5;
	s12 =	sand.u32 $0x380, s7;
	[tilespmem:s21+$0x0] =	vst.add.f32.msk $0xffff, v0  }
0x207: {  	s8 =	sor.u32 s12, s8;
	s12 =	sor.u32 $0x10, s2;
	s13 =	sor.u32 $0x30, s2;
	[tilespmem:s6+$0x0] =	vst.add.f32.msk $0xffff, v0  }
0x208: {  	s14 =	sor.u32 $0x20, s2;
	s6 =	sor.u32 s12, s8;
	s18 =	sor.u32 s13, s8;
	[tilespmem:s15+$0x0] =	vst.add.f32.msk $0xffff, v0  }
0x209: {  	s15 =	sor.u32 s2, s8;
	s22 =	sor.u32 s14, s8;
	s19 =	sor.u32 $0x8000, s6;
	v2 =	vld [tilespmem:s18+$0x1A000]  }
0x20a: {  	p0 =	slt.u32 s9, $0xFC0;
	s21 =	sor.u32 $0x8000, s15;
	s23 =	sor.u32 $0x8000, s22;
	v3 =	vld [tilespmem:s6+$0x1A000]  }
0x20b: {  	v1 =	vld [tilespmem:s22+$0x1A000]  }
0x20c: {  	v4 =	vld [tilespmem:s15+$0x1A000]  }
0x20d: {  	s22 =	sor.u32 $0x9000, s8;
	s15 =	sor.u32 $0x8000, s18;
	[tilespmem:s11+$0x0] =	vst.add.f32.msk $0xffff, v0  }
0x20e: {  	s6 =	sor.u32 s2, s22;
	s18 =	sor.u32 $0xA000, s8;
	s11 =	sor.u32 s13, s22;
	[tilespmem:s15+$0x0] =	vst.add.f32.msk $0xffff, v2  }
0x20f: {  	s8 =	sor.u32 $0xB000, s8;
	s24 =	sor.u32 s13, s18;
	s15 =	sor.u32 s2, s18;
	[tilespmem:s11+$0x0] =	vst.add.f32.msk $0xffff, v2  }
0x210: {  	s13 =	sor.u32 s13, s8;
	s11 =	sor.u32 s2, s8;
	s2 =	sor.u32 s12, s22;
	[tilespmem:s24+$0x0] =	vst.add.f32.msk $0xffff, v2  }
0x211: {  	s22 =	sor.u32 s14, s22;
	s24 =	sor.u32 s12, s18;
	s12 =	sor.u32 s12, s8;
	[tilespmem:s13+$0x0] =	vst.add.f32.msk $0xffff, v2;
	v0 =	vmov v4  }
0x212: {  	s13 =	sor.u32 s14, s18;
	s18 =	sor.u32 s14, s8;
	[tilespmem:s19+$0x0] =	vst.add.f32.msk $0xffff, v3  }
0x213: {  	[tilespmem:s2+$0x0] =	vst.add.f32.msk $0xffff, v3  }
.Ltmp9:
0x214: {  	[tilespmem:s24+$0x0] =	vst.add.f32.msk $0xffff, v3;
	(pc) =	sbr.rel @p0 .LBB2_20-.Ltmp9, $4  }
0x215: {  	[tilespmem:s12+$0x0] =	vst.add.f32.msk $0xffff, v3  }
0x216: {  	[tilespmem:s23+$0x0] =	vst.add.f32.msk $0xffff, v1  }
0x217: {  	[tilespmem:s22+$0x0] =	vst.add.f32.msk $0xffff, v1  }
0x218: {  	[tilespmem:s13+$0x0] =	vst.add.f32.msk $0xffff, v1  }
0x219: {  	[tilespmem:s18+$0x0] =	vst.add.f32.msk $0xffff, v1  }
0x21a: {  	[tilespmem:s21+$0x0] =	vst.add.f32.msk $0xffff, v0  }
0x21b: {  	[tilespmem:s6+$0x0] =	vst.add.f32.msk $0xffff, v0  }
0x21c: {  	[tilespmem:s15+$0x0] =	vst.add.f32.msk $0xffff, v0  }
0x21d: {  	[tilespmem:s11+$0x0] =	vst.add.f32.msk $0xffff, v0  }
0x21e: {  	s5 =	simm.s32 $0x8000;
	s18 =	simm.s32 $0xD;
	s2 =	rddreg [dreg:$0x14]  }
0x21f: {  	[hbm4b:s2+s31] =	stream.strided.scatter [tilespmem:s5], [sflag:$0xF], $0x4000, s0, s31, $0x38;
	[tilespmem:$0x1E000] =	vst v63  }
0x220: {  	_ =	swait.ge [sflag:s18], $0x4000  }
0x221: {  	[sflag:s18] =	ssyncset.done $0x0  }
0x222: {  	s19 =	simm.s32 $0xA;
	[sflag:s18] =	ssyncadd.s32 $0xFFFFC000  }
0x223: {  	_ =	swait.ge [sflag:s19], $0x1000  }
0x224: {  	s8 =	simm.s32 $0x4;
	s7 =	simm.s32 $0x0;
	[sflag:s19] =	ssyncset.done $0x0  }
0x225: {  	s9 =	simm.s32 $0x0;
	s21 =	sand.u32 $0xC00, s7;
	[sflag:s19] =	ssyncadd.s32 $0xFFFFF000  }
0x226: {  	s22 =	sand.u32 $0x380, s7;
	s2 =	sand.u32 $0x40, s9;
	_ =	swait.ge [sflag:s8], $0x4000  }
0x227: {  	s5 =	sor.u32 s22, s21;
	s23 =	sor.u32 $0x30, s2;
	[sflag:s8] =	ssyncset.done $0x0  }
0x228: {  	s26 =	sor.u32 $0x10, s2;
	s24 =	sor.u32 s23, s5;
	[sflag:s8] =	ssyncadd.s32 $0xFFFFC000  }
0x229: {  	s13 =	sor.u32 $0x20, s2;
	s12 =	sor.u32 s26, s5;
	v2 =	vld [tilespmem:s24+$0x1B000]  }
0x22a: {  	s14 =	sor.u32 s13, s5;
	v3 =	vld [tilespmem:s12+$0x1B000]  }
0x22b: {  	s18 =	sor.u32 $0xD000, s5;
	v1 =	vld [tilespmem:s14+$0x1B000]  }
0x22c: {  	s15 =	sor.u32 s2, s5;
	s21 =	sor.u32 $0xC000, s12;
	s28 =	sor.u32 s23, s18  }
0x22d: {  	s19 =	sor.u32 $0xE000, s5;
	s5 =	sor.u32 $0xF000, s5;
	s8 =	sor.u32 $0xC000, s24;
	v0 =	vld [tilespmem:s15+$0x1B000]  }
0x22e: {  	s22 =	sor.u32 s26, s18;
	s29 =	sor.u32 s23, s19;
	s6 =	sor.u32 s23, s5;
	[tilespmem:s8+$0x0] =	vst.add.f32.msk $0xffff, v2  }
0x22f: {  	s23 =	sor.u32 s26, s19;
	s24 =	sor.u32 s26, s5;
	s26 =	sor.u32 $0xC000, s14;
	[tilespmem:s21+$0x0] =	vst.add.f32.msk $0xffff, v3  }
0x230: {  	[tilespmem:s26+$0x0] =	vst.add.f32.msk $0xffff, v1  }
0x231: {  	[tilespmem:s28+$0x0] =	vst.add.f32.msk $0xffff, v2  }
0x232: {  	[tilespmem:s22+$0x0] =	vst.add.f32.msk $0xffff, v3  }
0x233: {  	[tilespmem:s29+$0x0] =	vst.add.f32.msk $0xffff, v2  }
0x234: {  	s28 =	sor.u32 s13, s18;
	[tilespmem:s23+$0x0] =	vst.add.f32.msk $0xffff, v3  }
0x235: {  	[tilespmem:s28+$0x0] =	vst.add.f32.msk $0xffff, v1  }
0x236: {  	s11 =	sor.u32 s2, s5;
	[tilespmem:s6+$0x0] =	vst.add.f32.msk $0xffff, v2  }
0x237: {  	s21 =	sor.u32 $0xC000, s15;
	s15 =	sor.u32 s2, s19;
	s29 =	sor.u32 s13, s19;
	[tilespmem:s24+$0x0] =	vst.add.f32.msk $0xffff, v3  }
0x238: {  	s6 =	sor.u32 s2, s18;
	s18 =	sor.u32 s13, s5;
	[tilespmem:s29+$0x0] =	vst.add.f32.msk $0xffff, v1;
	s5 =	simm.s32 $0x0  }
.LBB2_22:
0x239: {  	s9 =	sadd.s32 $0x40, s9;
	[tilespmem:s18+$0x0] =	vst.add.f32.msk $0xffff, v1;
	s7 =	sadd.s32 $0x10, s7;
	s5 =	sadd.s32 $0x200, s5  }
0x23a: {  	s2 =	sand.u32 $0x40, s9;
	s8 =	sand.u32 $0xC00, s5;
	s12 =	sand.u32 $0x380, s7;
	[tilespmem:s21+$0x0] =	vst.add.f32.msk $0xffff, v0  }
0x23b: {  	s8 =	sor.u32 s12, s8;
	s12 =	sor.u32 $0x10, s2;
	s13 =	sor.u32 $0x30, s2;
	[tilespmem:s6+$0x0] =	vst.add.f32.msk $0xffff, v0  }
0x23c: {  	s14 =	sor.u32 $0x20, s2;
	s6 =	sor.u32 s12, s8;
	s18 =	sor.u32 s13, s8;
	[tilespmem:s15+$0x0] =	vst.add.f32.msk $0xffff, v0  }
0x23d: {  	s15 =	sor.u32 s2, s8;
	s22 =	sor.u32 s14, s8;
	s19 =	sor.u32 $0xC000, s6;
	v2 =	vld [tilespmem:s18+$0x1B000]  }
0x23e: {  	p0 =	slt.u32 s9, $0xFC0;
	s21 =	sor.u32 $0xC000, s15;
	s23 =	sor.u32 $0xC000, s22;
	v3 =	vld [tilespmem:s6+$0x1B000]  }
0x23f: {  	v1 =	vld [tilespmem:s22+$0x1B000]  }
0x240: {  	v4 =	vld [tilespmem:s15+$0x1B000]  }
0x241: {  	s22 =	sor.u32 $0xD000, s8;
	s15 =	sor.u32 $0xC000, s18;
	[tilespmem:s11+$0x0] =	vst.add.f32.msk $0xffff, v0  }
0x242: {  	s6 =	sor.u32 s2, s22;
	s18 =	sor.u32 $0xE000, s8;
	s11 =	sor.u32 s13, s22;
	[tilespmem:s15+$0x0] =	vst.add.f32.msk $0xffff, v2  }
0x243: {  	s8 =	sor.u32 $0xF000, s8;
	s24 =	sor.u32 s13, s18;
	s15 =	sor.u32 s2, s18;
	[tilespmem:s11+$0x0] =	vst.add.f32.msk $0xffff, v2  }
0x244: {  	s13 =	sor.u32 s13, s8;
	s11 =	sor.u32 s2, s8;
	s2 =	sor.u32 s12, s22;
	[tilespmem:s24+$0x0] =	vst.add.f32.msk $0xffff, v2  }
0x245: {  	s22 =	sor.u32 s14, s22;
	s24 =	sor.u32 s12, s18;
	s12 =	sor.u32 s12, s8;
	[tilespmem:s13+$0x0] =	vst.add.f32.msk $0xffff, v2;
	v0 =	vmov v4  }
0x246: {  	s13 =	sor.u32 s14, s18;
	s18 =	sor.u32 s14, s8;
	[tilespmem:s19+$0x0] =	vst.add.f32.msk $0xffff, v3  }
0x247: {  	[tilespmem:s2+$0x0] =	vst.add.f32.msk $0xffff, v3  }
.Ltmp10:
0x248: {  	[tilespmem:s24+$0x0] =	vst.add.f32.msk $0xffff, v3;
	(pc) =	sbr.rel @p0 .LBB2_22-.Ltmp10, $4  }
0x249: {  	[tilespmem:s12+$0x0] =	vst.add.f32.msk $0xffff, v3  }
0x24a: {  	[tilespmem:s23+$0x0] =	vst.add.f32.msk $0xffff, v1  }
0x24b: {  	[tilespmem:s22+$0x0] =	vst.add.f32.msk $0xffff, v1  }
0x24c: {  	[tilespmem:s13+$0x0] =	vst.add.f32.msk $0xffff, v1  }
0x24d: {  	[tilespmem:s18+$0x0] =	vst.add.f32.msk $0xffff, v1  }
0x24e: {  	[tilespmem:s21+$0x0] =	vst.add.f32.msk $0xffff, v0  }
0x24f: {  	[tilespmem:s6+$0x0] =	vst.add.f32.msk $0xffff, v0  }
0x250: {  	[tilespmem:s15+$0x0] =	vst.add.f32.msk $0xffff, v0  }
0x251: {  	[tilespmem:s11+$0x0] =	vst.add.f32.msk $0xffff, v0  }
0x252: {  	s28 =	simm.s32 $0xE;
	s2 =	rddreg [dreg:$0x15]  }
0x253: {  	[hbm4b:s2+s31] =	stream.strided.scatter [tilespmem:s25], [sflag:$0x10], $0x4000, s0, s31, $0x38;
	[tilespmem:$0x1E000] =	vst v63  }
0x254: {  	_ =	swait.ge [sflag:s28], $0x4000  }
0x255: {  	[sflag:s28] =	ssyncset.done $0x0  }
0x256: {  	[sflag:s28] =	ssyncadd.s32 $0xFFFFC000  }
0x257: {  	_ =	swait.ge [sflag:s17], $0x4000  }
0x258: {  	[sflag:s17] =	ssyncset.done $0x0  }
0x259: {  	[sflag:s17] =	ssyncadd.s32 $0xFFFFC000  }
0x25a: {  	_ =	swait.ge [sflag:s20], $0x4000  }
0x25b: {  	s5 =	rddreg [dreg:$0x1a]  }
0x25c: {  	s29 =	rddreg [dreg:$0x16];
	s5 =	sadd.s32 $0x1, s5  }
0x25d: {  	p0 =	sne.s32 s5, s29  }
.Ltmp11:
0x25e: {  	_ = 	snop;
	(pc) =	sbr.rel @p0 .LBB2_1-.Ltmp11, $3  }
0x25f: {  	_ =	sdelay $0x1  }
0x260: {  	[sflag:s20] =	ssyncset.done $0x0  }
0x261: {  	[sflag:s20] =	ssyncadd.s32 $0xFFFFC000  }
0x262: {  	_ =	sfence.sel $0x180000  }
0x263: {  	[bflag:$0x0] =	sbarrier.arrive $0xFFFF  }
0x264: {  	_ =	strace $0x90000047  }
0x265: {  	s0 =	stileid.u32;
	[bflag:$0x2] =	sbarrier.arrive $0xFFFF  }
0x266: {  	p0 =	sne.s32 s0, $0x0;
	s0 =	rddreg [dreg:$0x3]  }
0x267: {  	s0 =	sadd.s32 @!p0 $0x100000, s0  }
0x268: {  	[sflag:s0] =	ssyncadd.tile.s32 @!p0 $0x1;
	_ =	shalt  }
.Lfunc_end2:
_tile_overlayer_lowered:
.L_overlay_start_2:
0x269: {  	(tag) =	ssettag $0x2  }
0x26a: {  	s0 =	rddreg [dreg:$0x0];
	s2 =	stileid.u32  }
0x26b: {  	s1 =	rddreg [dreg:$0x1];
	p0 =	sne.s32 s2, $0x0  }
0x26c: {  	s3 =	rddreg [dreg:$0x2];
	[bflag:$0x3] =	sbarrier.arrive $0xFFFF;
	s2 =	simm.s32 @!p0 $0x1C13  }
0x26d: {  	[timem:s3], [sflag:s2] =	dma.local @!p0 [hbm:s0], s1  }
0x26e: {  	s0 =	simm.s32 @!p0 $0x13  }
0x26f: {  	_ =	swait.ge @!p0 [sflag:s0], s1  }
0x270: {  	s1 =	ssub.s32 @!p0 $0x0, s1;
	[sflag:s0] =	ssyncset.done @!p0 $0x0  }
0x271: {  	[sflag:s0] =	ssyncadd.s32 @!p0 s1  }
0x272: {  	[bflag:$0x3] =	sbarrier.arrive $0xFFFF  }
0x273: {  	_ =	shalt  }

</sc_bundles>
